<compile_context>
chip_gen: v7x
topology: tpu7x:2x2x1
jax: 0.10.2.dev20260603
libtpu: 0.0.44.dev20260713+nightly
codegen_flags: <defaults>
</compile_context>

<pallas_src>
import functools

import jax
import jax.numpy as jnp
from jax import lax
from jax.experimental import pallas as pl
from jax.experimental.pallas import tpu as pltpu
from jax.experimental.pallas import tpu_sc as plsc

B, L, D = 4096, 50, 64
V = 100000
N = B * L
NC, NS = 2, 16
NW = NC * NS
RPW = D // NW
HALF_L = L // 2


def _gather_chunk(row_v, idx_v, out_v):

    @plsc.parallel_loop(0, B // 16, 1, unroll=8)
    def _(b1):
        idx = idx_v[pl.ds(b1 * 16, 16)]
        vals = plsc.load_gather(row_v, [idx])
        out_v[b1 // 8, pl.ds((b1 % 8) * 16, 16)] = vals


def _sc_body(ids_hbm, tab, out,
             row_v, idx_a, idx_b, out_a, out_b, ids_sp,
             isem_a, isem_b, osem_a, osem_b):
    cid = lax.axis_index("c")
    sid = lax.axis_index("s")
    wid = sid * NC + cid
    @pl.when(sid == 0)
    def _():
        pltpu.sync_copy(ids_hbm, ids_sp)

    plsc.subcore_barrier()
    ids = ids_sp
    d0 = wid * RPW
    for j in range(RPW):
        d = d0 + j
        kd = d // 8
        sub = d % 8
        pltpu.sync_copy(tab.at[d], row_v)
        pltpu.async_copy(ids.at[pl.ds(0, B)], idx_a, isem_a)

        def li(i, c):
            l0 = 2 * i
            l1 = 2 * i + 1
            pltpu.make_async_copy(ids.at[pl.ds(l0 * B, B)],
                                  idx_a, isem_a).wait()
            pltpu.async_copy(ids.at[pl.ds(l1 * B, B)], idx_b, isem_b)

            @pl.when(i > 0)
            def _():
                pltpu.make_async_copy(
                    out_a, out.at[l0 - 2, kd, :, sub], osem_a).wait()

            _gather_chunk(row_v, idx_a, out_a)
            pltpu.async_copy(out_a, out.at[l0, kd, :, sub], osem_a)
            pltpu.make_async_copy(ids.at[pl.ds(l1 * B, B)],
                                  idx_b, isem_b).wait()

            @pl.when(i < HALF_L - 1)
            def _():
                pltpu.async_copy(ids.at[pl.ds((l0 + 2) * B, B)],
                                 idx_a, isem_a)

            @pl.when(i > 0)
            def _():
                pltpu.make_async_copy(
                    out_b, out.at[l1 - 2, kd, :, sub], osem_b).wait()

            _gather_chunk(row_v, idx_b, out_b)
            pltpu.async_copy(out_b, out.at[l1, kd, :, sub], osem_b)
            return c

        lax.fori_loop(0, HALF_L, li, 0)
        pltpu.make_async_copy(out_a, out.at[L - 2, kd, :, sub],
                              osem_a).wait()
        pltpu.make_async_copy(out_b, out.at[L - 1, kd, :, sub],
                              osem_b).wait()


_OUT5 = jax.ShapeDtypeStruct((L, D // 8, B // 128, 8, 128), jnp.float32)


@functools.partial(
    pl.kernel,
    out_type=_OUT5,
    mesh=plsc.VectorSubcoreMesh(core_axis_name="c", subcore_axis_name="s"),
    compiler_params=pltpu.CompilerParams(
        use_tc_tiling_on_sc=False,
        needs_layout_passes=False,
    ),
    scratch_types=[
        pltpu.VMEM((V,), jnp.float32),
        pltpu.VMEM((B,), jnp.int32),
        pltpu.VMEM((B,), jnp.int32),
        pltpu.VMEM((B // 128, 128), jnp.float32),
        pltpu.VMEM((B // 128, 128), jnp.float32),
        pltpu.VMEM_SHARED((N,), jnp.int32),
        pltpu.SemaphoreType.DMA,
        pltpu.SemaphoreType.DMA,
        pltpu.SemaphoreType.DMA,
        pltpu.SemaphoreType.DMA,
    ],
)
def _emb_kernel(ids, tab, out,
                row_v, idx_a, idx_b, out_a, out_b, ids_sp,
                isem_a, isem_b, osem_a, osem_b):
    _sc_body(ids, tab, out,
             row_v, idx_a, idx_b, out_a, out_b, ids_sp,
             isem_a, isem_b, osem_a, osem_b)


def kernel(src_ids, tgt_ids, src_table, tgt_table):
    ids_s = src_ids.T.reshape(-1).astype(jnp.int32)
    ids_t = tgt_ids.T.reshape(-1).astype(jnp.int32)
    o_s = _emb_kernel(ids_s, src_table.T)
    o_t = _emb_kernel(ids_t, tgt_table.T)

    def finish(o):
        return (o.transpose(0, 1, 3, 2, 4)
                 .reshape(L, D, B)
                 .transpose(2, 0, 1))

    return finish(o_s), finish(o_t)

# --- scband reference (transcript-rebuilt; emitter-appended) ---
"""Pipeline reference for scband-model-embeddings-17162689315498 (READ-ONLY COPY).

The authoritative reference and input builder live on the scoring server;
editing this copy changes nothing except your own understanding.
"""

import jax, jax.numpy as jnp
import numpy as np

SRC_VOCAB = 100000
TGT_VOCAB = 100000
D = 64
B = 4096
L = 50
PAD = 0


def setup_inputs(seed: int = 0) -> dict:
    key = jax.random.key(seed)
    k1, k2, k3, k4 = jax.random.split(key, 4)
    src_ids = jax.random.randint(k1, (B, L), 0, SRC_VOCAB)
    tgt_ids = jax.random.randint(k2, (B, L), 0, TGT_VOCAB)
    # Learned source embedding table (nn.Embedding with padding_idx -> pad row zeroed)
    src_table = jax.random.normal(k3, (SRC_VOCAB, D), dtype=jnp.float32)
    src_table = src_table.at[PAD].set(0.0)
    # Frozen, pretrained (GloVe-like) target embedding matrix; requires_grad=False in torch
    tgt_table = jax.random.normal(k4, (TGT_VOCAB, D), dtype=jnp.float32) * 0.1
    tgt_table = tgt_table.at[PAD].set(0.0)
    return {"src_ids": src_ids, "tgt_ids": tgt_ids, "src_table": src_table, "tgt_table": tgt_table}


def reference(src_ids, tgt_ids, src_table, tgt_table):
    # ModelEmbeddings exposes self.source / self.target embedding lookups.
    src_emb = jnp.take(src_table, src_ids, axis=0)  # [B, L, D]
    tgt_emb = jnp.take(tgt_table, tgt_ids, axis=0)  # [B, L, D]
    return (src_emb, tgt_emb)

if __name__ == "__main__":
    import jax
    _d = setup_inputs()
    print(jax.jit(kernel)(*tuple(_d.values())))

</pallas_src>

<mosaic_0001>
#map = affine_map<(d0, d1) -> (0)>
#map1 = affine_map<(d0, d1) -> (0, 0)>
#map2 = affine_map<(d0, d1) -> (0, 0, 0, 0, 0)>
module attributes {stable_mosaic.version = 14 : i64} {
  func.func @_emb_kernel(%arg0: i32, %arg1: i32, %arg2: memref<204800xi32, #tpu.memory_space<hbm>>, %arg3: memref<64x100000xf32, #tpu.memory_space<hbm>>, %arg4: memref<50x8x32x8x128xf32, #tpu.memory_space<hbm>>, %arg5: memref<100000xf32, #tpu.memory_space<vmem>>, %arg6: memref<4096xi32, #tpu.memory_space<vmem>>, %arg7: memref<4096xi32, #tpu.memory_space<vmem>>, %arg8: memref<32x128xf32, #tpu.memory_space<vmem>>, %arg9: memref<32x128xf32, #tpu.memory_space<vmem>>, %arg10: memref<204800xi32, #tpu.memory_space<vmem_shared>>, %arg11: memref<!tpu.dma_semaphore, #tpu.memory_space<semaphore_mem>>, %arg12: memref<!tpu.dma_semaphore, #tpu.memory_space<semaphore_mem>>, %arg13: memref<!tpu.dma_semaphore, #tpu.memory_space<semaphore_mem>>, %arg14: memref<!tpu.dma_semaphore, #tpu.memory_space<semaphore_mem>>) attributes {dimension_semantics = [#tpu.dimension_semantics<core_parallel>, #tpu.dimension_semantics<subcore_parallel>], iteration_bounds = array<i64: 2, 16>, scalar_prefetch = 0 : i64, scratch_operands = 10 : i64, tpu.core_type = #tpu.core_type<sc_vector_subcore>, window_params = [{transform_indices = #map}, {transform_indices = #map1}, {transform_indices = #map2}]} {
    %mul3A = arith.constant 2 : i32
    %mul3A_0 = arith.muli %arg1, %mul3A : i32
    %add3A = arith.addi %mul3A_0, %arg0 : i32
    %eq3A = arith.constant 0 : i32
    %eq3A_1 = arith.cmpi eq, %arg1, %eq3A : i32
    %convert_element_type3A = arith.extui %eq3A_1 : i1 to i32
    %cond3A = arith.constant 0 : i32
    %cond3A_2 = arith.cmpi ne, %convert_element_type3A, %cond3A : i32
    scf.if %cond3A_2 {
      "tpu.region"() ({
        %run_scoped3A = tpu.sem_alloc : memref<!tpu.dma_semaphore, #tpu.memory_space<semaphore_mem>>
        tpu.enqueue_dma source(%arg2 : memref<204800xi32, #tpu.memory_space<hbm>>) target(%arg10 : memref<204800xi32, #tpu.memory_space<vmem_shared>>) target_semaphore(%run_scoped3A : memref<!tpu.dma_semaphore, #tpu.memory_space<semaphore_mem>>)
        tpu.wait_dma2 semaphore(%run_scoped3A : memref<!tpu.dma_semaphore, #tpu.memory_space<semaphore_mem>>) src(%arg2 : memref<204800xi32, #tpu.memory_space<hbm>>) dst(%arg10 : memref<204800xi32, #tpu.memory_space<vmem_shared>>)
        tpu.yield
      }) : () -> ()
    } else {
    }
    %barrier3A = arith.constant 0 : index
    tpu.barrier barrier_id(%barrier3A)
    %mul3A_3 = arith.constant 2 : i32
    %mul3A_4 = arith.muli %add3A, %mul3A_3 : i32
    %add3A_5 = arith.constant 0 : i32
    %add3A_6 = arith.addi %mul3A_4, %add3A_5 : i32
    %jit3A = arith.constant 8 : i32
    %div3A = arith.divsi %add3A_6, %jit3A : i32
    %sign3A = arith.constant 0 : i32
    %sign3A_7 = arith.cmpi sgt, %add3A_6, %sign3A : i32
    %sign3A_8 = arith.extui %sign3A_7 : i1 to i32
    %sign3A_9 = arith.constant 0 : i32
    %sign3A_10 = arith.cmpi slt, %add3A_6, %sign3A_9 : i32
    %sign3A_11 = arith.extui %sign3A_10 : i1 to i32
    %sign3A_12 = arith.subi %sign3A_8, %sign3A_11 : i32
    %sign3A_13 = arith.constant 0 : i32
    %sign3A_14 = arith.cmpi sgt, %jit3A, %sign3A_13 : i32
    %sign3A_15 = arith.extui %sign3A_14 : i1 to i32
    %sign3A_16 = arith.constant 0 : i32
    %sign3A_17 = arith.cmpi slt, %jit3A, %sign3A_16 : i32
    %sign3A_18 = arith.extui %sign3A_17 : i1 to i32
    %sign3A_19 = arith.subi %sign3A_15, %sign3A_18 : i32
    %ne3A = arith.cmpi ne, %sign3A_12, %sign3A_19 : i32
    %rem3A = arith.remsi %add3A_6, %jit3A : i32
    %ne3A_20 = arith.constant 0 : i32
    %ne3A_21 = arith.cmpi ne, %rem3A, %ne3A_20 : i32
    %and3A = arith.andi %ne3A, %ne3A_21 : i1
    %sub3A = arith.constant 1 : i32
    %sub3A_22 = arith.subi %div3A, %sub3A : i32
    %select_n3A = arith.select %and3A, %sub3A_22, %div3A : i32
    %jit3A_23 = arith.constant 8 : i32
    %eq3A_24 = arith.constant 0 : i32
    %eq3A_25 = arith.cmpi eq, %jit3A_23, %eq3A_24 : i32
    %jit3A_26 = arith.constant 1 : i32
    %select_n3A_27 = arith.select %eq3A_25, %jit3A_26, %jit3A_23 : i32
    %rem3A_28 = arith.remsi %add3A_6, %select_n3A_27 : i32
    %ne3A_29 = arith.constant 0 : i32
    %ne3A_30 = arith.cmpi ne, %rem3A_28, %ne3A_29 : i32
    %lt3A = arith.constant 0 : i32
    %lt3A_31 = arith.cmpi slt, %rem3A_28, %lt3A : i32
    %lt3A_32 = arith.constant 0 : i32
    %lt3A_33 = arith.cmpi slt, %select_n3A_27, %lt3A_32 : i32
    %ne3A_34 = arith.xori %lt3A_31, %lt3A_33 : i1
    %and3A_35 = arith.andi %ne3A_34, %ne3A_30 : i1
    %add3A_36 = arith.addi %rem3A_28, %select_n3A_27 : i32
    %select_n3A_37 = arith.select %and3A_35, %add3A_36, %rem3A_28 : i32
    "tpu.region"() ({
      %run_scoped3A = tpu.sem_alloc : memref<!tpu.dma_semaphore, #tpu.memory_space<semaphore_mem>>
      %dma_start3A_133 = arith.constant 0 : i32
      %dma_start3A_134 = tpu.memref_slice %arg3[%add3A_6, %dma_start3A_133] : memref<64x100000xf32, #tpu.memory_space<hbm>> -> memref<1x100000xf32, #tpu.memory_space<hbm>>
      %dma_start3A_135 = tpu.memref_squeeze %dma_start3A_134 : memref<1x100000xf32, #tpu.memory_space<hbm>> -> memref<100000xf32, #tpu.memory_space<hbm>>
      %dma_start3A_136 = arith.constant 0 : i32
      %dma_start3A_137 = tpu.memref_slice %arg3[%add3A_6, %dma_start3A_136] : memref<64x100000xf32, #tpu.memory_space<hbm>> -> memref<1x100000xf32, #tpu.memory_space<hbm>>
      %dma_start3A_138 = tpu.memref_squeeze %dma_start3A_137 : memref<1x100000xf32, #tpu.memory_space<hbm>> -> memref<100000xf32, #tpu.memory_space<hbm>>
      tpu.enqueue_dma source(%dma_start3A_138 : memref<100000xf32, #tpu.memory_space<hbm>>) target(%arg5 : memref<100000xf32, #tpu.memory_space<vmem>>) target_semaphore(%run_scoped3A : memref<!tpu.dma_semaphore, #tpu.memory_space<semaphore_mem>>)
      %dma_wait3A_139 = arith.constant 0 : i32
      %dma_wait3A_140 = tpu.memref_slice %arg3[%add3A_6, %dma_wait3A_139] : memref<64x100000xf32, #tpu.memory_space<hbm>> -> memref<1x100000xf32, #tpu.memory_space<hbm>>
      %dma_wait3A_141 = tpu.memref_squeeze %dma_wait3A_140 : memref<1x100000xf32, #tpu.memory_space<hbm>> -> memref<100000xf32, #tpu.memory_space<hbm>>
      %dma_wait3A_142 = arith.constant 0 : i32
      %dma_wait3A_143 = tpu.memref_slice %arg3[%add3A_6, %dma_wait3A_142] : memref<64x100000xf32, #tpu.memory_space<hbm>> -> memref<1x100000xf32, #tpu.memory_space<hbm>>
      %dma_wait3A_144 = tpu.memref_squeeze %dma_wait3A_143 : memref<1x100000xf32, #tpu.memory_space<hbm>> -> memref<100000xf32, #tpu.memory_space<hbm>>
      tpu.wait_dma2 semaphore(%run_scoped3A : memref<!tpu.dma_semaphore, #tpu.memory_space<semaphore_mem>>) src(%dma_wait3A_144 : memref<100000xf32, #tpu.memory_space<hbm>>) dst(%arg5 : memref<100000xf32, #tpu.memory_space<vmem>>)
      tpu.yield
    }) : () -> ()
    %dma_start3A = arith.constant 0 : i32
    %dma_start3A_38 = tpu.memref_slice %arg10[%dma_start3A] : memref<204800xi32, #tpu.memory_space<vmem_shared>> -> memref<4096xi32, #tpu.memory_space<vmem_shared>>
    %dma_start3A_39 = arith.constant 0 : i32
    %dma_start3A_40 = tpu.memref_slice %arg10[%dma_start3A_39] : memref<204800xi32, #tpu.memory_space<vmem_shared>> -> memref<4096xi32, #tpu.memory_space<vmem_shared>>
    tpu.enqueue_dma source(%dma_start3A_40 : memref<4096xi32, #tpu.memory_space<vmem_shared>>) target(%arg6 : memref<4096xi32, #tpu.memory_space<vmem>>) target_semaphore(%arg11 : memref<!tpu.dma_semaphore, #tpu.memory_space<semaphore_mem>>)
    %scan3A = arith.constant 0 : i32
    %scan3A_41 = arith.constant 0 : i32
    %scan3A_42 = arith.constant 25 : i32
    %scan3A_43 = arith.addi %scan3A_41, %scan3A_42 : i32
    %scan3A_44 = arith.constant 1 : i32
    scf.for %scan3A_133 = %scan3A_41 to %scan3A_43 step %scan3A_44  : i32 {
      %mul3A_134 = arith.constant 2 : i32
      %mul3A_135 = arith.muli %mul3A_134, %scan3A_133 : i32
      %mul3A_136 = arith.constant 2 : i32
      %mul3A_137 = arith.muli %mul3A_136, %scan3A_133 : i32
      %add3A_138 = arith.constant 1 : i32
      %add3A_139 = arith.addi %mul3A_137, %add3A_138 : i32
      %mul3A_140 = arith.constant 4096 : i32
      %mul3A_141 = arith.muli %mul3A_135, %mul3A_140 : i32
      %dma_wait3A_142 = tpu.memref_slice %arg10[%mul3A_141] : memref<204800xi32, #tpu.memory_space<vmem_shared>> -> memref<4096xi32, #tpu.memory_space<vmem_shared>>
      %dma_wait3A_143 = tpu.memref_slice %arg10[%mul3A_141] : memref<204800xi32, #tpu.memory_space<vmem_shared>> -> memref<4096xi32, #tpu.memory_space<vmem_shared>>
      tpu.wait_dma2 semaphore(%arg11 : memref<!tpu.dma_semaphore, #tpu.memory_space<semaphore_mem>>) src(%dma_wait3A_143 : memref<4096xi32, #tpu.memory_space<vmem_shared>>) dst(%arg6 : memref<4096xi32, #tpu.memory_space<vmem>>)
      %mul3A_144 = arith.constant 4096 : i32
      %mul3A_145 = arith.muli %add3A_139, %mul3A_144 : i32
      %dma_start3A_146 = tpu.memref_slice %arg10[%mul3A_145] : memref<204800xi32, #tpu.memory_space<vmem_shared>> -> memref<4096xi32, #tpu.memory_space<vmem_shared>>
      %dma_start3A_147 = tpu.memref_slice %arg10[%mul3A_145] : memref<204800xi32, #tpu.memory_space<vmem_shared>> -> memref<4096xi32, #tpu.memory_space<vmem_shared>>
      tpu.enqueue_dma source(%dma_start3A_147 : memref<4096xi32, #tpu.memory_space<vmem_shared>>) target(%arg7 : memref<4096xi32, #tpu.memory_space<vmem>>) target_semaphore(%arg12 : memref<!tpu.dma_semaphore, #tpu.memory_space<semaphore_mem>>)
      %gt3A = arith.constant 0 : i32
      %gt3A_148 = arith.cmpi sgt, %scan3A_133, %gt3A : i32
      %convert_element_type3A_149 = arith.extui %gt3A_148 : i1 to i32
      %cond3A_150 = arith.constant 0 : i32
      %cond3A_151 = arith.cmpi ne, %convert_element_type3A_149, %cond3A_150 : i32
      scf.if %cond3A_151 {
        %sub3A_187 = arith.constant 2 : i32
        %sub3A_188 = arith.subi %mul3A_135, %sub3A_187 : i32
        %dma_wait3A_189 = arith.constant 0 : i32
        %dma_wait3A_190 = arith.constant 0 : i32
        %dma_wait3A_191 = tpu.memref_slice %arg4[%sub3A_188, %select_n3A, %dma_wait3A_189, %select_n3A_37, %dma_wait3A_190] : memref<50x8x32x8x128xf32, #tpu.memory_space<hbm>> -> memref<1x1x32x1x128xf32, #tpu.memory_space<hbm>>
        %dma_wait3A_192 = tpu.memref_squeeze %dma_wait3A_191 : memref<1x1x32x1x128xf32, #tpu.memory_space<hbm>> -> memref<32x128xf32, #tpu.memory_space<hbm>>
        %dma_wait3A_193 = arith.constant 0 : i32
        %dma_wait3A_194 = arith.constant 0 : i32
        %dma_wait3A_195 = tpu.memref_slice %arg4[%sub3A_188, %select_n3A, %dma_wait3A_193, %select_n3A_37, %dma_wait3A_194] : memref<50x8x32x8x128xf32, #tpu.memory_space<hbm>> -> memref<1x1x32x1x128xf32, #tpu.memory_space<hbm>>
        %dma_wait3A_196 = tpu.memref_squeeze %dma_wait3A_195 : memref<1x1x32x1x128xf32, #tpu.memory_space<hbm>> -> memref<32x128xf32, #tpu.memory_space<hbm>>
        tpu.wait_dma2 semaphore(%arg13 : memref<!tpu.dma_semaphore, #tpu.memory_space<semaphore_mem>>) src(%arg8 : memref<32x128xf32, #tpu.memory_space<vmem>>) dst(%dma_wait3A_196 : memref<32x128xf32, #tpu.memory_space<hbm>>)
      } else {
      }
      %parallel_loop3A = arith.constant 0 : i32
      %parallel_loop3A_152 = arith.constant 256 : i32
      %parallel_loop3A_153 = arith.constant 1 : i32
      scf.for %parallel_loop3A_187 = %parallel_loop3A to %parallel_loop3A_152 step %parallel_loop3A_153  : i32 {
        %parallel_loop3A_188 = arith.constant 16 : i32
        %parallel_loop3A_189 = arith.muli %parallel_loop3A_187, %parallel_loop3A_188 : i32
        %parallel_loop3A_190 = arith.index_cast %parallel_loop3A_189 : i32 to index
        %parallel_loop3A_191 = tpu.vector_load %arg6[%parallel_loop3A_190] {strides = array<i32>} : memref<4096xi32, #tpu.memory_space<vmem>>, vector<16xi32>,
        %parallel_loop3A_192 = tpu.vector_load_idx %arg5[%parallel_loop3A_191] : memref<100000xf32, #tpu.memory_space<vmem>>[vector<16xi32>], vector<16xf32>,
        %parallel_loop3A_193 = arith.constant 8 : i32
        %parallel_loop3A_194 = arith.divsi %parallel_loop3A_187, %parallel_loop3A_193 : i32
        %parallel_loop3A_195 = arith.constant 0 : i32
        %parallel_loop3A_196 = arith.cmpi sgt, %parallel_loop3A_187, %parallel_loop3A_195 : i32
        %parallel_loop3A_197 = arith.extui %parallel_loop3A_196 : i1 to i32
        %parallel_loop3A_198 = arith.constant 0 : i32
        %parallel_loop3A_199 = arith.cmpi slt, %parallel_loop3A_187, %parallel_loop3A_198 : i32
        %parallel_loop3A_200 = arith.extui %parallel_loop3A_199 : i1 to i32
        %parallel_loop3A_201 = arith.subi %parallel_loop3A_197, %parallel_loop3A_200 : i32
        %parallel_loop3A_202 = arith.constant 0 : i32
        %parallel_loop3A_203 = arith.cmpi sgt, %parallel_loop3A_193, %parallel_loop3A_202 : i32
        %parallel_loop3A_204 = arith.extui %parallel_loop3A_203 : i1 to i32
        %parallel_loop3A_205 = arith.constant 0 : i32
        %parallel_loop3A_206 = arith.cmpi slt, %parallel_loop3A_193, %parallel_loop3A_205 : i32
        %parallel_loop3A_207 = arith.extui %parallel_loop3A_206 : i1 to i32
        %parallel_loop3A_208 = arith.subi %parallel_loop3A_204, %parallel_loop3A_207 : i32
        %parallel_loop3A_209 = arith.cmpi ne, %parallel_loop3A_201, %parallel_loop3A_208 : i32
        %parallel_loop3A_210 = arith.remsi %parallel_loop3A_187, %parallel_loop3A_193 : i32
        %parallel_loop3A_211 = arith.constant 0 : i32
        %parallel_loop3A_212 = arith.cmpi ne, %parallel_loop3A_210, %parallel_loop3A_211 : i32
        %parallel_loop3A_213 = arith.andi %parallel_loop3A_209, %parallel_loop3A_212 : i1
        %parallel_loop3A_214 = arith.constant 1 : i32
        %parallel_loop3A_215 = arith.subi %parallel_loop3A_194, %parallel_loop3A_214 : i32
        %parallel_loop3A_216 = arith.select %parallel_loop3A_213, %parallel_loop3A_215, %parallel_loop3A_194 : i32
        %parallel_loop3A_217 = arith.constant 8 : i32
        %parallel_loop3A_218 = arith.constant 0 : i32
        %parallel_loop3A_219 = arith.cmpi eq, %parallel_loop3A_217, %parallel_loop3A_218 : i32
        %parallel_loop3A_220 = arith.constant 1 : i32
        %parallel_loop3A_221 = arith.select %parallel_loop3A_219, %parallel_loop3A_220, %parallel_loop3A_217 : i32
        %parallel_loop3A_222 = arith.remsi %parallel_loop3A_187, %parallel_loop3A_221 : i32
        %parallel_loop3A_223 = arith.constant 0 : i32
        %parallel_loop3A_224 = arith.cmpi ne, %parallel_loop3A_222, %parallel_loop3A_223 : i32
        %parallel_loop3A_225 = arith.constant 0 : i32
        %parallel_loop3A_226 = arith.cmpi slt, %parallel_loop3A_222, %parallel_loop3A_225 : i32
        %parallel_loop3A_227 = arith.constant 0 : i32
        %parallel_loop3A_228 = arith.cmpi slt, %parallel_loop3A_221, %parallel_loop3A_227 : i32
        %parallel_loop3A_229 = arith.xori %parallel_loop3A_226, %parallel_loop3A_228 : i1
        %parallel_loop3A_230 = arith.andi %parallel_loop3A_229, %parallel_loop3A_224 : i1
        %parallel_loop3A_231 = arith.addi %parallel_loop3A_222, %parallel_loop3A_221 : i32
        %parallel_loop3A_232 = arith.select %parallel_loop3A_230, %parallel_loop3A_231, %parallel_loop3A_222 : i32
        %parallel_loop3A_233 = arith.constant 16 : i32
        %parallel_loop3A_234 = arith.muli %parallel_loop3A_232, %parallel_loop3A_233 : i32
        %parallel_loop3A_235 = arith.index_cast %parallel_loop3A_216 : i32 to index
        %parallel_loop3A_236 = arith.index_cast %parallel_loop3A_234 : i32 to index
        %parallel_loop3A_237 = tpu.vector_load %arg8[%parallel_loop3A_235, %parallel_loop3A_236] {strides = array<i32>} : memref<32x128xf32, #tpu.memory_space<vmem>>, vector<16xf32>,
        tpu.vector_store %arg8[%parallel_loop3A_235, %parallel_loop3A_236], %parallel_loop3A_192 {strides = array<i32>} : memref<32x128xf32, #tpu.memory_space<vmem>>, vector<16xf32>,
      } {sc.loop_unroll_factor = 8 : i64, sc.parallel_access}
      %dma_start3A_154 = arith.constant 0 : i32
      %dma_start3A_155 = arith.constant 0 : i32
      %dma_start3A_156 = tpu.memref_slice %arg4[%mul3A_135, %select_n3A, %dma_start3A_154, %select_n3A_37, %dma_start3A_155] : memref<50x8x32x8x128xf32, #tpu.memory_space<hbm>> -> memref<1x1x32x1x128xf32, #tpu.memory_space<hbm>>
      %dma_start3A_157 = tpu.memref_squeeze %dma_start3A_156 : memref<1x1x32x1x128xf32, #tpu.memory_space<hbm>> -> memref<32x128xf32, #tpu.memory_space<hbm>>
      %dma_start3A_158 = arith.constant 0 : i32
      %dma_start3A_159 = arith.constant 0 : i32
      %dma_start3A_160 = tpu.memref_slice %arg4[%mul3A_135, %select_n3A, %dma_start3A_158, %select_n3A_37, %dma_start3A_159] : memref<50x8x32x8x128xf32, #tpu.memory_space<hbm>> -> memref<1x1x32x1x128xf32, #tpu.memory_space<hbm>>
      %dma_start3A_161 = tpu.memref_squeeze %dma_start3A_160 : memref<1x1x32x1x128xf32, #tpu.memory_space<hbm>> -> memref<32x128xf32, #tpu.memory_space<hbm>>
      tpu.enqueue_dma source(%arg8 : memref<32x128xf32, #tpu.memory_space<vmem>>) target(%dma_start3A_161 : memref<32x128xf32, #tpu.memory_space<hbm>>) target_semaphore(%arg13 : memref<!tpu.dma_semaphore, #tpu.memory_space<semaphore_mem>>)
      %mul3A_162 = arith.constant 4096 : i32
      %mul3A_163 = arith.muli %add3A_139, %mul3A_162 : i32
      %dma_wait3A_164 = tpu.memref_slice %arg10[%mul3A_163] : memref<204800xi32, #tpu.memory_space<vmem_shared>> -> memref<4096xi32, #tpu.memory_space<vmem_shared>>
      %dma_wait3A_165 = tpu.memref_slice %arg10[%mul3A_163] : memref<204800xi32, #tpu.memory_space<vmem_shared>> -> memref<4096xi32, #tpu.memory_space<vmem_shared>>
      tpu.wait_dma2 semaphore(%arg12 : memref<!tpu.dma_semaphore, #tpu.memory_space<semaphore_mem>>) src(%dma_wait3A_165 : memref<4096xi32, #tpu.memory_space<vmem_shared>>) dst(%arg7 : memref<4096xi32, #tpu.memory_space<vmem>>)
      %lt3A_166 = arith.constant 24 : i32
      %lt3A_167 = arith.cmpi slt, %scan3A_133, %lt3A_166 : i32
      %convert_element_type3A_168 = arith.extui %lt3A_167 : i1 to i32
      %cond3A_169 = arith.constant 0 : i32
      %cond3A_170 = arith.cmpi ne, %convert_element_type3A_168, %cond3A_169 : i32
      scf.if %cond3A_170 {
        %add3A_187 = arith.constant 2 : i32
        %add3A_188 = arith.addi %mul3A_135, %add3A_187 : i32
        %mul3A_189 = arith.constant 4096 : i32
        %mul3A_190 = arith.muli %add3A_188, %mul3A_189 : i32
        %dma_start3A_191 = tpu.memref_slice %arg10[%mul3A_190] : memref<204800xi32, #tpu.memory_space<vmem_shared>> -> memref<4096xi32, #tpu.memory_space<vmem_shared>>
        %dma_start3A_192 = tpu.memref_slice %arg10[%mul3A_190] : memref<204800xi32, #tpu.memory_space<vmem_shared>> -> memref<4096xi32, #tpu.memory_space<vmem_shared>>
        tpu.enqueue_dma source(%dma_start3A_192 : memref<4096xi32, #tpu.memory_space<vmem_shared>>) target(%arg6 : memref<4096xi32, #tpu.memory_space<vmem>>) target_semaphore(%arg11 : memref<!tpu.dma_semaphore, #tpu.memory_space<semaphore_mem>>)
      } else {
      }
      %gt3A_171 = arith.constant 0 : i32
      %gt3A_172 = arith.cmpi sgt, %scan3A_133, %gt3A_171 : i32
      %convert_element_type3A_173 = arith.extui %gt3A_172 : i1 to i32
      %cond3A_174 = arith.constant 0 : i32
      %cond3A_175 = arith.cmpi ne, %convert_element_type3A_173, %cond3A_174 : i32
      scf.if %cond3A_175 {
        %sub3A_187 = arith.constant 2 : i32
        %sub3A_188 = arith.subi %add3A_139, %sub3A_187 : i32
        %dma_wait3A_189 = arith.constant 0 : i32
        %dma_wait3A_190 = arith.constant 0 : i32
        %dma_wait3A_191 = tpu.memref_slice %arg4[%sub3A_188, %select_n3A, %dma_wait3A_189, %select_n3A_37, %dma_wait3A_190] : memref<50x8x32x8x128xf32, #tpu.memory_space<hbm>> -> memref<1x1x32x1x128xf32, #tpu.memory_space<hbm>>
        %dma_wait3A_192 = tpu.memref_squeeze %dma_wait3A_191 : memref<1x1x32x1x128xf32, #tpu.memory_space<hbm>> -> memref<32x128xf32, #tpu.memory_space<hbm>>
        %dma_wait3A_193 = arith.constant 0 : i32
        %dma_wait3A_194 = arith.constant 0 : i32
        %dma_wait3A_195 = tpu.memref_slice %arg4[%sub3A_188, %select_n3A, %dma_wait3A_193, %select_n3A_37, %dma_wait3A_194] : memref<50x8x32x8x128xf32, #tpu.memory_space<hbm>> -> memref<1x1x32x1x128xf32, #tpu.memory_space<hbm>>
        %dma_wait3A_196 = tpu.memref_squeeze %dma_wait3A_195 : memref<1x1x32x1x128xf32, #tpu.memory_space<hbm>> -> memref<32x128xf32, #tpu.memory_space<hbm>>
        tpu.wait_dma2 semaphore(%arg14 : memref<!tpu.dma_semaphore, #tpu.memory_space<semaphore_mem>>) src(%arg9 : memref<32x128xf32, #tpu.memory_space<vmem>>) dst(%dma_wait3A_196 : memref<32x128xf32, #tpu.memory_space<hbm>>)
      } else {
      }
      %parallel_loop3A_176 = arith.constant 0 : i32
      %parallel_loop3A_177 = arith.constant 256 : i32
      %parallel_loop3A_178 = arith.constant 1 : i32
      scf.for %parallel_loop3A_187 = %parallel_loop3A_176 to %parallel_loop3A_177 step %parallel_loop3A_178  : i32 {
        %parallel_loop3A_188 = arith.constant 16 : i32
        %parallel_loop3A_189 = arith.muli %parallel_loop3A_187, %parallel_loop3A_188 : i32
        %parallel_loop3A_190 = arith.index_cast %parallel_loop3A_189 : i32 to index
        %parallel_loop3A_191 = tpu.vector_load %arg7[%parallel_loop3A_190] {strides = array<i32>} : memref<4096xi32, #tpu.memory_space<vmem>>, vector<16xi32>,
        %parallel_loop3A_192 = tpu.vector_load_idx %arg5[%parallel_loop3A_191] : memref<100000xf32, #tpu.memory_space<vmem>>[vector<16xi32>], vector<16xf32>,
        %parallel_loop3A_193 = arith.constant 8 : i32
        %parallel_loop3A_194 = arith.divsi %parallel_loop3A_187, %parallel_loop3A_193 : i32
        %parallel_loop3A_195 = arith.constant 0 : i32
        %parallel_loop3A_196 = arith.cmpi sgt, %parallel_loop3A_187, %parallel_loop3A_195 : i32
        %parallel_loop3A_197 = arith.extui %parallel_loop3A_196 : i1 to i32
        %parallel_loop3A_198 = arith.constant 0 : i32
        %parallel_loop3A_199 = arith.cmpi slt, %parallel_loop3A_187, %parallel_loop3A_198 : i32
        %parallel_loop3A_200 = arith.extui %parallel_loop3A_199 : i1 to i32
        %parallel_loop3A_201 = arith.subi %parallel_loop3A_197, %parallel_loop3A_200 : i32
        %parallel_loop3A_202 = arith.constant 0 : i32
        %parallel_loop3A_203 = arith.cmpi sgt, %parallel_loop3A_193, %parallel_loop3A_202 : i32
        %parallel_loop3A_204 = arith.extui %parallel_loop3A_203 : i1 to i32
        %parallel_loop3A_205 = arith.constant 0 : i32
        %parallel_loop3A_206 = arith.cmpi slt, %parallel_loop3A_193, %parallel_loop3A_205 : i32
        %parallel_loop3A_207 = arith.extui %parallel_loop3A_206 : i1 to i32
        %parallel_loop3A_208 = arith.subi %parallel_loop3A_204, %parallel_loop3A_207 : i32
        %parallel_loop3A_209 = arith.cmpi ne, %parallel_loop3A_201, %parallel_loop3A_208 : i32
        %parallel_loop3A_210 = arith.remsi %parallel_loop3A_187, %parallel_loop3A_193 : i32
        %parallel_loop3A_211 = arith.constant 0 : i32
        %parallel_loop3A_212 = arith.cmpi ne, %parallel_loop3A_210, %parallel_loop3A_211 : i32
        %parallel_loop3A_213 = arith.andi %parallel_loop3A_209, %parallel_loop3A_212 : i1
        %parallel_loop3A_214 = arith.constant 1 : i32
        %parallel_loop3A_215 = arith.subi %parallel_loop3A_194, %parallel_loop3A_214 : i32
        %parallel_loop3A_216 = arith.select %parallel_loop3A_213, %parallel_loop3A_215, %parallel_loop3A_194 : i32
        %parallel_loop3A_217 = arith.constant 8 : i32
        %parallel_loop3A_218 = arith.constant 0 : i32
        %parallel_loop3A_219 = arith.cmpi eq, %parallel_loop3A_217, %parallel_loop3A_218 : i32
        %parallel_loop3A_220 = arith.constant 1 : i32
        %parallel_loop3A_221 = arith.select %parallel_loop3A_219, %parallel_loop3A_220, %parallel_loop3A_217 : i32
        %parallel_loop3A_222 = arith.remsi %parallel_loop3A_187, %parallel_loop3A_221 : i32
        %parallel_loop3A_223 = arith.constant 0 : i32
        %parallel_loop3A_224 = arith.cmpi ne, %parallel_loop3A_222, %parallel_loop3A_223 : i32
        %parallel_loop3A_225 = arith.constant 0 : i32
        %parallel_loop3A_226 = arith.cmpi slt, %parallel_loop3A_222, %parallel_loop3A_225 : i32
        %parallel_loop3A_227 = arith.constant 0 : i32
        %parallel_loop3A_228 = arith.cmpi slt, %parallel_loop3A_221, %parallel_loop3A_227 : i32
        %parallel_loop3A_229 = arith.xori %parallel_loop3A_226, %parallel_loop3A_228 : i1
        %parallel_loop3A_230 = arith.andi %parallel_loop3A_229, %parallel_loop3A_224 : i1
        %parallel_loop3A_231 = arith.addi %parallel_loop3A_222, %parallel_loop3A_221 : i32
        %parallel_loop3A_232 = arith.select %parallel_loop3A_230, %parallel_loop3A_231, %parallel_loop3A_222 : i32
        %parallel_loop3A_233 = arith.constant 16 : i32
        %parallel_loop3A_234 = arith.muli %parallel_loop3A_232, %parallel_loop3A_233 : i32
        %parallel_loop3A_235 = arith.index_cast %parallel_loop3A_216 : i32 to index
        %parallel_loop3A_236 = arith.index_cast %parallel_loop3A_234 : i32 to index
        %parallel_loop3A_237 = tpu.vector_load %arg9[%parallel_loop3A_235, %parallel_loop3A_236] {strides = array<i32>} : memref<32x128xf32, #tpu.memory_space<vmem>>, vector<16xf32>,
        tpu.vector_store %arg9[%parallel_loop3A_235, %parallel_loop3A_236], %parallel_loop3A_192 {strides = array<i32>} : memref<32x128xf32, #tpu.memory_space<vmem>>, vector<16xf32>,
      } {sc.loop_unroll_factor = 8 : i64, sc.parallel_access}
      %dma_start3A_179 = arith.constant 0 : i32
      %dma_start3A_180 = arith.constant 0 : i32
      %dma_start3A_181 = tpu.memref_slice %arg4[%add3A_139, %select_n3A, %dma_start3A_179, %select_n3A_37, %dma_start3A_180] : memref<50x8x32x8x128xf32, #tpu.memory_space<hbm>> -> memref<1x1x32x1x128xf32, #tpu.memory_space<hbm>>
      %dma_start3A_182 = tpu.memref_squeeze %dma_start3A_181 : memref<1x1x32x1x128xf32, #tpu.memory_space<hbm>> -> memref<32x128xf32, #tpu.memory_space<hbm>>
      %dma_start3A_183 = arith.constant 0 : i32
      %dma_start3A_184 = arith.constant 0 : i32
      %dma_start3A_185 = tpu.memref_slice %arg4[%add3A_139, %select_n3A, %dma_start3A_183, %select_n3A_37, %dma_start3A_184] : memref<50x8x32x8x128xf32, #tpu.memory_space<hbm>> -> memref<1x1x32x1x128xf32, #tpu.memory_space<hbm>>
      %dma_start3A_186 = tpu.memref_squeeze %dma_start3A_185 : memref<1x1x32x1x128xf32, #tpu.memory_space<hbm>> -> memref<32x128xf32, #tpu.memory_space<hbm>>
      tpu.enqueue_dma source(%arg9 : memref<32x128xf32, #tpu.memory_space<vmem>>) target(%dma_start3A_186 : memref<32x128xf32, #tpu.memory_space<hbm>>) target_semaphore(%arg14 : memref<!tpu.dma_semaphore, #tpu.memory_space<semaphore_mem>>)
    }
    %scan3A_45 = arith.constant 25 : i32
    %dma_wait3A = arith.constant 48 : i32
    %dma_wait3A_46 = arith.constant 0 : i32
    %dma_wait3A_47 = arith.constant 0 : i32
    %dma_wait3A_48 = tpu.memref_slice %arg4[%dma_wait3A, %select_n3A, %dma_wait3A_46, %select_n3A_37, %dma_wait3A_47] : memref<50x8x32x8x128xf32, #tpu.memory_space<hbm>> -> memref<1x1x32x1x128xf32, #tpu.memory_space<hbm>>
    %dma_wait3A_49 = tpu.memref_squeeze %dma_wait3A_48 : memref<1x1x32x1x128xf32, #tpu.memory_space<hbm>> -> memref<32x128xf32, #tpu.memory_space<hbm>>
    %dma_wait3A_50 = arith.constant 0 : i32
    %dma_wait3A_51 = arith.constant 0 : i32
    %dma_wait3A_52 = tpu.memref_slice %arg4[%dma_wait3A, %select_n3A, %dma_wait3A_50, %select_n3A_37, %dma_wait3A_51] : memref<50x8x32x8x128xf32, #tpu.memory_space<hbm>> -> memref<1x1x32x1x128xf32, #tpu.memory_space<hbm>>
    %dma_wait3A_53 = tpu.memref_squeeze %dma_wait3A_52 : memref<1x1x32x1x128xf32, #tpu.memory_space<hbm>> -> memref<32x128xf32, #tpu.memory_space<hbm>>
    tpu.wait_dma2 semaphore(%arg13 : memref<!tpu.dma_semaphore, #tpu.memory_space<semaphore_mem>>) src(%arg8 : memref<32x128xf32, #tpu.memory_space<vmem>>) dst(%dma_wait3A_53 : memref<32x128xf32, #tpu.memory_space<hbm>>)
    %dma_wait3A_54 = arith.constant 49 : i32
    %dma_wait3A_55 = arith.constant 0 : i32
    %dma_wait3A_56 = arith.constant 0 : i32
    %dma_wait3A_57 = tpu.memref_slice %arg4[%dma_wait3A_54, %select_n3A, %dma_wait3A_55, %select_n3A_37, %dma_wait3A_56] : memref<50x8x32x8x128xf32, #tpu.memory_space<hbm>> -> memref<1x1x32x1x128xf32, #tpu.memory_space<hbm>>
    %dma_wait3A_58 = tpu.memref_squeeze %dma_wait3A_57 : memref<1x1x32x1x128xf32, #tpu.memory_space<hbm>> -> memref<32x128xf32, #tpu.memory_space<hbm>>
    %dma_wait3A_59 = arith.constant 0 : i32
    %dma_wait3A_60 = arith.constant 0 : i32
    %dma_wait3A_61 = tpu.memref_slice %arg4[%dma_wait3A_54, %select_n3A, %dma_wait3A_59, %select_n3A_37, %dma_wait3A_60] : memref<50x8x32x8x128xf32, #tpu.memory_space<hbm>> -> memref<1x1x32x1x128xf32, #tpu.memory_space<hbm>>
    %dma_wait3A_62 = tpu.memref_squeeze %dma_wait3A_61 : memref<1x1x32x1x128xf32, #tpu.memory_space<hbm>> -> memref<32x128xf32, #tpu.memory_space<hbm>>
    tpu.wait_dma2 semaphore(%arg14 : memref<!tpu.dma_semaphore, #tpu.memory_space<semaphore_mem>>) src(%arg9 : memref<32x128xf32, #tpu.memory_space<vmem>>) dst(%dma_wait3A_62 : memref<32x128xf32, #tpu.memory_space<hbm>>)
    %add3A_63 = arith.constant 1 : i32
    %add3A_64 = arith.addi %mul3A_4, %add3A_63 : i32
    %jit3A_65 = arith.constant 8 : i32
    %div3A_66 = arith.divsi %add3A_64, %jit3A_65 : i32
    %sign3A_67 = arith.constant 0 : i32
    %sign3A_68 = arith.cmpi sgt, %add3A_64, %sign3A_67 : i32
    %sign3A_69 = arith.extui %sign3A_68 : i1 to i32
    %sign3A_70 = arith.constant 0 : i32
    %sign3A_71 = arith.cmpi slt, %add3A_64, %sign3A_70 : i32
    %sign3A_72 = arith.extui %sign3A_71 : i1 to i32
    %sign3A_73 = arith.subi %sign3A_69, %sign3A_72 : i32
    %sign3A_74 = arith.constant 0 : i32
    %sign3A_75 = arith.cmpi sgt, %jit3A_65, %sign3A_74 : i32
    %sign3A_76 = arith.extui %sign3A_75 : i1 to i32
    %sign3A_77 = arith.constant 0 : i32
    %sign3A_78 = arith.cmpi slt, %jit3A_65, %sign3A_77 : i32
    %sign3A_79 = arith.extui %sign3A_78 : i1 to i32
    %sign3A_80 = arith.subi %sign3A_76, %sign3A_79 : i32
    %ne3A_81 = arith.cmpi ne, %sign3A_73, %sign3A_80 : i32
    %rem3A_82 = arith.remsi %add3A_64, %jit3A_65 : i32
    %ne3A_83 = arith.constant 0 : i32
    %ne3A_84 = arith.cmpi ne, %rem3A_82, %ne3A_83 : i32
    %and3A_85 = arith.andi %ne3A_81, %ne3A_84 : i1
    %sub3A_86 = arith.constant 1 : i32
    %sub3A_87 = arith.subi %div3A_66, %sub3A_86 : i32
    %select_n3A_88 = arith.select %and3A_85, %sub3A_87, %div3A_66 : i32
    %jit3A_89 = arith.constant 8 : i32
    %eq3A_90 = arith.constant 0 : i32
    %eq3A_91 = arith.cmpi eq, %jit3A_89, %eq3A_90 : i32
    %jit3A_92 = arith.constant 1 : i32
    %select_n3A_93 = arith.select %eq3A_91, %jit3A_92, %jit3A_89 : i32
    %rem3A_94 = arith.remsi %add3A_64, %select_n3A_93 : i32
    %ne3A_95 = arith.constant 0 : i32
    %ne3A_96 = arith.cmpi ne, %rem3A_94, %ne3A_95 : i32
    %lt3A_97 = arith.constant 0 : i32
    %lt3A_98 = arith.cmpi slt, %rem3A_94, %lt3A_97 : i32
    %lt3A_99 = arith.constant 0 : i32
    %lt3A_100 = arith.cmpi slt, %select_n3A_93, %lt3A_99 : i32
    %ne3A_101 = arith.xori %lt3A_98, %lt3A_100 : i1
    %and3A_102 = arith.andi %ne3A_101, %ne3A_96 : i1
    %add3A_103 = arith.addi %rem3A_94, %select_n3A_93 : i32
    %select_n3A_104 = arith.select %and3A_102, %add3A_103, %rem3A_94 : i32
    "tpu.region"() ({
      %run_scoped3A = tpu.sem_alloc : memref<!tpu.dma_semaphore, #tpu.memory_space<semaphore_mem>>
      %dma_start3A_133 = arith.constant 0 : i32
      %dma_start3A_134 = tpu.memref_slice %arg3[%add3A_64, %dma_start3A_133] : memref<64x100000xf32, #tpu.memory_space<hbm>> -> memref<1x100000xf32, #tpu.memory_space<hbm>>
      %dma_start3A_135 = tpu.memref_squeeze %dma_start3A_134 : memref<1x100000xf32, #tpu.memory_space<hbm>> -> memref<100000xf32, #tpu.memory_space<hbm>>
      %dma_start3A_136 = arith.constant 0 : i32
      %dma_start3A_137 = tpu.memref_slice %arg3[%add3A_64, %dma_start3A_136] : memref<64x100000xf32, #tpu.memory_space<hbm>> -> memref<1x100000xf32, #tpu.memory_space<hbm>>
      %dma_start3A_138 = tpu.memref_squeeze %dma_start3A_137 : memref<1x100000xf32, #tpu.memory_space<hbm>> -> memref<100000xf32, #tpu.memory_space<hbm>>
      tpu.enqueue_dma source(%dma_start3A_138 : memref<100000xf32, #tpu.memory_space<hbm>>) target(%arg5 : memref<100000xf32, #tpu.memory_space<vmem>>) target_semaphore(%run_scoped3A : memref<!tpu.dma_semaphore, #tpu.memory_space<semaphore_mem>>)
      %dma_wait3A_139 = arith.constant 0 : i32
      %dma_wait3A_140 = tpu.memref_slice %arg3[%add3A_64, %dma_wait3A_139] : memref<64x100000xf32, #tpu.memory_space<hbm>> -> memref<1x100000xf32, #tpu.memory_space<hbm>>
      %dma_wait3A_141 = tpu.memref_squeeze %dma_wait3A_140 : memref<1x100000xf32, #tpu.memory_space<hbm>> -> memref<100000xf32, #tpu.memory_space<hbm>>
      %dma_wait3A_142 = arith.constant 0 : i32
      %dma_wait3A_143 = tpu.memref_slice %arg3[%add3A_64, %dma_wait3A_142] : memref<64x100000xf32, #tpu.memory_space<hbm>> -> memref<1x100000xf32, #tpu.memory_space<hbm>>
      %dma_wait3A_144 = tpu.memref_squeeze %dma_wait3A_143 : memref<1x100000xf32, #tpu.memory_space<hbm>> -> memref<100000xf32, #tpu.memory_space<hbm>>
      tpu.wait_dma2 semaphore(%run_scoped3A : memref<!tpu.dma_semaphore, #tpu.memory_space<semaphore_mem>>) src(%dma_wait3A_144 : memref<100000xf32, #tpu.memory_space<hbm>>) dst(%arg5 : memref<100000xf32, #tpu.memory_space<vmem>>)
      tpu.yield
    }) : () -> ()
    %dma_start3A_105 = arith.constant 0 : i32
    %dma_start3A_106 = tpu.memref_slice %arg10[%dma_start3A_105] : memref<204800xi32, #tpu.memory_space<vmem_shared>> -> memref<4096xi32, #tpu.memory_space<vmem_shared>>
    %dma_start3A_107 = arith.constant 0 : i32
    %dma_start3A_108 = tpu.memref_slice %arg10[%dma_start3A_107] : memref<204800xi32, #tpu.memory_space<vmem_shared>> -> memref<4096xi32, #tpu.memory_space<vmem_shared>>
    tpu.enqueue_dma source(%dma_start3A_108 : memref<4096xi32, #tpu.memory_space<vmem_shared>>) target(%arg6 : memref<4096xi32, #tpu.memory_space<vmem>>) target_semaphore(%arg11 : memref<!tpu.dma_semaphore, #tpu.memory_space<semaphore_mem>>)
    %scan3A_109 = arith.constant 0 : i32
    %scan3A_110 = arith.constant 0 : i32
    %scan3A_111 = arith.constant 25 : i32
    %scan3A_112 = arith.addi %scan3A_110, %scan3A_111 : i32
    %scan3A_113 = arith.constant 1 : i32
    scf.for %scan3A_133 = %scan3A_110 to %scan3A_112 step %scan3A_113  : i32 {
      %mul3A_134 = arith.constant 2 : i32
      %mul3A_135 = arith.muli %mul3A_134, %scan3A_133 : i32
      %mul3A_136 = arith.constant 2 : i32
      %mul3A_137 = arith.muli %mul3A_136, %scan3A_133 : i32
      %add3A_138 = arith.constant 1 : i32
      %add3A_139 = arith.addi %mul3A_137, %add3A_138 : i32
      %mul3A_140 = arith.constant 4096 : i32
      %mul3A_141 = arith.muli %mul3A_135, %mul3A_140 : i32
      %dma_wait3A_142 = tpu.memref_slice %arg10[%mul3A_141] : memref<204800xi32, #tpu.memory_space<vmem_shared>> -> memref<4096xi32, #tpu.memory_space<vmem_shared>>
      %dma_wait3A_143 = tpu.memref_slice %arg10[%mul3A_141] : memref<204800xi32, #tpu.memory_space<vmem_shared>> -> memref<4096xi32, #tpu.memory_space<vmem_shared>>
      tpu.wait_dma2 semaphore(%arg11 : memref<!tpu.dma_semaphore, #tpu.memory_space<semaphore_mem>>) src(%dma_wait3A_143 : memref<4096xi32, #tpu.memory_space<vmem_shared>>) dst(%arg6 : memref<4096xi32, #tpu.memory_space<vmem>>)
      %mul3A_144 = arith.constant 4096 : i32
      %mul3A_145 = arith.muli %add3A_139, %mul3A_144 : i32
      %dma_start3A_146 = tpu.memref_slice %arg10[%mul3A_145] : memref<204800xi32, #tpu.memory_space<vmem_shared>> -> memref<4096xi32, #tpu.memory_space<vmem_shared>>
      %dma_start3A_147 = tpu.memref_slice %arg10[%mul3A_145] : memref<204800xi32, #tpu.memory_space<vmem_shared>> -> memref<4096xi32, #tpu.memory_space<vmem_shared>>
      tpu.enqueue_dma source(%dma_start3A_147 : memref<4096xi32, #tpu.memory_space<vmem_shared>>) target(%arg7 : memref<4096xi32, #tpu.memory_space<vmem>>) target_semaphore(%arg12 : memref<!tpu.dma_semaphore, #tpu.memory_space<semaphore_mem>>)
      %gt3A = arith.constant 0 : i32
      %gt3A_148 = arith.cmpi sgt, %scan3A_133, %gt3A : i32
      %convert_element_type3A_149 = arith.extui %gt3A_148 : i1 to i32
      %cond3A_150 = arith.constant 0 : i32
      %cond3A_151 = arith.cmpi ne, %convert_element_type3A_149, %cond3A_150 : i32
      scf.if %cond3A_151 {
        %sub3A_187 = arith.constant 2 : i32
        %sub3A_188 = arith.subi %mul3A_135, %sub3A_187 : i32
        %dma_wait3A_189 = arith.constant 0 : i32
        %dma_wait3A_190 = arith.constant 0 : i32
        %dma_wait3A_191 = tpu.memref_slice %arg4[%sub3A_188, %select_n3A_88, %dma_wait3A_189, %select_n3A_104, %dma_wait3A_190] : memref<50x8x32x8x128xf32, #tpu.memory_space<hbm>> -> memref<1x1x32x1x128xf32, #tpu.memory_space<hbm>>
        %dma_wait3A_192 = tpu.memref_squeeze %dma_wait3A_191 : memref<1x1x32x1x128xf32, #tpu.memory_space<hbm>> -> memref<32x128xf32, #tpu.memory_space<hbm>>
        %dma_wait3A_193 = arith.constant 0 : i32
        %dma_wait3A_194 = arith.constant 0 : i32
        %dma_wait3A_195 = tpu.memref_slice %arg4[%sub3A_188, %select_n3A_88, %dma_wait3A_193, %select_n3A_104, %dma_wait3A_194] : memref<50x8x32x8x128xf32, #tpu.memory_space<hbm>> -> memref<1x1x32x1x128xf32, #tpu.memory_space<hbm>>
        %dma_wait3A_196 = tpu.memref_squeeze %dma_wait3A_195 : memref<1x1x32x1x128xf32, #tpu.memory_space<hbm>> -> memref<32x128xf32, #tpu.memory_space<hbm>>
        tpu.wait_dma2 semaphore(%arg13 : memref<!tpu.dma_semaphore, #tpu.memory_space<semaphore_mem>>) src(%arg8 : memref<32x128xf32, #tpu.memory_space<vmem>>) dst(%dma_wait3A_196 : memref<32x128xf32, #tpu.memory_space<hbm>>)
      } else {
      }
      %parallel_loop3A = arith.constant 0 : i32
      %parallel_loop3A_152 = arith.constant 256 : i32
      %parallel_loop3A_153 = arith.constant 1 : i32
      scf.for %parallel_loop3A_187 = %parallel_loop3A to %parallel_loop3A_152 step %parallel_loop3A_153  : i32 {
        %parallel_loop3A_188 = arith.constant 16 : i32
        %parallel_loop3A_189 = arith.muli %parallel_loop3A_187, %parallel_loop3A_188 : i32
        %parallel_loop3A_190 = arith.index_cast %parallel_loop3A_189 : i32 to index
        %parallel_loop3A_191 = tpu.vector_load %arg6[%parallel_loop3A_190] {strides = array<i32>} : memref<4096xi32, #tpu.memory_space<vmem>>, vector<16xi32>,
        %parallel_loop3A_192 = tpu.vector_load_idx %arg5[%parallel_loop3A_191] : memref<100000xf32, #tpu.memory_space<vmem>>[vector<16xi32>], vector<16xf32>,
        %parallel_loop3A_193 = arith.constant 8 : i32
        %parallel_loop3A_194 = arith.divsi %parallel_loop3A_187, %parallel_loop3A_193 : i32
        %parallel_loop3A_195 = arith.constant 0 : i32
        %parallel_loop3A_196 = arith.cmpi sgt, %parallel_loop3A_187, %parallel_loop3A_195 : i32
        %parallel_loop3A_197 = arith.extui %parallel_loop3A_196 : i1 to i32
        %parallel_loop3A_198 = arith.constant 0 : i32
        %parallel_loop3A_199 = arith.cmpi slt, %parallel_loop3A_187, %parallel_loop3A_198 : i32
        %parallel_loop3A_200 = arith.extui %parallel_loop3A_199 : i1 to i32
        %parallel_loop3A_201 = arith.subi %parallel_loop3A_197, %parallel_loop3A_200 : i32
        %parallel_loop3A_202 = arith.constant 0 : i32
        %parallel_loop3A_203 = arith.cmpi sgt, %parallel_loop3A_193, %parallel_loop3A_202 : i32
        %parallel_loop3A_204 = arith.extui %parallel_loop3A_203 : i1 to i32
        %parallel_loop3A_205 = arith.constant 0 : i32
        %parallel_loop3A_206 = arith.cmpi slt, %parallel_loop3A_193, %parallel_loop3A_205 : i32
        %parallel_loop3A_207 = arith.extui %parallel_loop3A_206 : i1 to i32
        %parallel_loop3A_208 = arith.subi %parallel_loop3A_204, %parallel_loop3A_207 : i32
        %parallel_loop3A_209 = arith.cmpi ne, %parallel_loop3A_201, %parallel_loop3A_208 : i32
        %parallel_loop3A_210 = arith.remsi %parallel_loop3A_187, %parallel_loop3A_193 : i32
        %parallel_loop3A_211 = arith.constant 0 : i32
        %parallel_loop3A_212 = arith.cmpi ne, %parallel_loop3A_210, %parallel_loop3A_211 : i32
        %parallel_loop3A_213 = arith.andi %parallel_loop3A_209, %parallel_loop3A_212 : i1
        %parallel_loop3A_214 = arith.constant 1 : i32
        %parallel_loop3A_215 = arith.subi %parallel_loop3A_194, %parallel_loop3A_214 : i32
        %parallel_loop3A_216 = arith.select %parallel_loop3A_213, %parallel_loop3A_215, %parallel_loop3A_194 : i32
        %parallel_loop3A_217 = arith.constant 8 : i32
        %parallel_loop3A_218 = arith.constant 0 : i32
        %parallel_loop3A_219 = arith.cmpi eq, %parallel_loop3A_217, %parallel_loop3A_218 : i32
        %parallel_loop3A_220 = arith.constant 1 : i32
        %parallel_loop3A_221 = arith.select %parallel_loop3A_219, %parallel_loop3A_220, %parallel_loop3A_217 : i32
        %parallel_loop3A_222 = arith.remsi %parallel_loop3A_187, %parallel_loop3A_221 : i32
        %parallel_loop3A_223 = arith.constant 0 : i32
        %parallel_loop3A_224 = arith.cmpi ne, %parallel_loop3A_222, %parallel_loop3A_223 : i32
        %parallel_loop3A_225 = arith.constant 0 : i32
        %parallel_loop3A_226 = arith.cmpi slt, %parallel_loop3A_222, %parallel_loop3A_225 : i32
        %parallel_loop3A_227 = arith.constant 0 : i32
        %parallel_loop3A_228 = arith.cmpi slt, %parallel_loop3A_221, %parallel_loop3A_227 : i32
        %parallel_loop3A_229 = arith.xori %parallel_loop3A_226, %parallel_loop3A_228 : i1
        %parallel_loop3A_230 = arith.andi %parallel_loop3A_229, %parallel_loop3A_224 : i1
        %parallel_loop3A_231 = arith.addi %parallel_loop3A_222, %parallel_loop3A_221 : i32
        %parallel_loop3A_232 = arith.select %parallel_loop3A_230, %parallel_loop3A_231, %parallel_loop3A_222 : i32
        %parallel_loop3A_233 = arith.constant 16 : i32
        %parallel_loop3A_234 = arith.muli %parallel_loop3A_232, %parallel_loop3A_233 : i32
        %parallel_loop3A_235 = arith.index_cast %parallel_loop3A_216 : i32 to index
        %parallel_loop3A_236 = arith.index_cast %parallel_loop3A_234 : i32 to index
        %parallel_loop3A_237 = tpu.vector_load %arg8[%parallel_loop3A_235, %parallel_loop3A_236] {strides = array<i32>} : memref<32x128xf32, #tpu.memory_space<vmem>>, vector<16xf32>,
        tpu.vector_store %arg8[%parallel_loop3A_235, %parallel_loop3A_236], %parallel_loop3A_192 {strides = array<i32>} : memref<32x128xf32, #tpu.memory_space<vmem>>, vector<16xf32>,
      } {sc.loop_unroll_factor = 8 : i64, sc.parallel_access}
      %dma_start3A_154 = arith.constant 0 : i32
      %dma_start3A_155 = arith.constant 0 : i32
      %dma_start3A_156 = tpu.memref_slice %arg4[%mul3A_135, %select_n3A_88, %dma_start3A_154, %select_n3A_104, %dma_start3A_155] : memref<50x8x32x8x128xf32, #tpu.memory_space<hbm>> -> memref<1x1x32x1x128xf32, #tpu.memory_space<hbm>>
      %dma_start3A_157 = tpu.memref_squeeze %dma_start3A_156 : memref<1x1x32x1x128xf32, #tpu.memory_space<hbm>> -> memref<32x128xf32, #tpu.memory_space<hbm>>
      %dma_start3A_158 = arith.constant 0 : i32
      %dma_start3A_159 = arith.constant 0 : i32
      %dma_start3A_160 = tpu.memref_slice %arg4[%mul3A_135, %select_n3A_88, %dma_start3A_158, %select_n3A_104, %dma_start3A_159] : memref<50x8x32x8x128xf32, #tpu.memory_space<hbm>> -> memref<1x1x32x1x128xf32, #tpu.memory_space<hbm>>
      %dma_start3A_161 = tpu.memref_squeeze %dma_start3A_160 : memref<1x1x32x1x128xf32, #tpu.memory_space<hbm>> -> memref<32x128xf32, #tpu.memory_space<hbm>>
      tpu.enqueue_dma source(%arg8 : memref<32x128xf32, #tpu.memory_space<vmem>>) target(%dma_start3A_161 : memref<32x128xf32, #tpu.memory_space<hbm>>) target_semaphore(%arg13 : memref<!tpu.dma_semaphore, #tpu.memory_space<semaphore_mem>>)
      %mul3A_162 = arith.constant 4096 : i32
      %mul3A_163 = arith.muli %add3A_139, %mul3A_162 : i32
      %dma_wait3A_164 = tpu.memref_slice %arg10[%mul3A_163] : memref<204800xi32, #tpu.memory_space<vmem_shared>> -> memref<4096xi32, #tpu.memory_space<vmem_shared>>
      %dma_wait3A_165 = tpu.memref_slice %arg10[%mul3A_163] : memref<204800xi32, #tpu.memory_space<vmem_shared>> -> memref<4096xi32, #tpu.memory_space<vmem_shared>>
      tpu.wait_dma2 semaphore(%arg12 : memref<!tpu.dma_semaphore, #tpu.memory_space<semaphore_mem>>) src(%dma_wait3A_165 : memref<4096xi32, #tpu.memory_space<vmem_shared>>) dst(%arg7 : memref<4096xi32, #tpu.memory_space<vmem>>)
      %lt3A_166 = arith.constant 24 : i32
      %lt3A_167 = arith.cmpi slt, %scan3A_133, %lt3A_166 : i32
      %convert_element_type3A_168 = arith.extui %lt3A_167 : i1 to i32
      %cond3A_169 = arith.constant 0 : i32
      %cond3A_170 = arith.cmpi ne, %convert_element_type3A_168, %cond3A_169 : i32
      scf.if %cond3A_170 {
        %add3A_187 = arith.constant 2 : i32
        %add3A_188 = arith.addi %mul3A_135, %add3A_187 : i32
        %mul3A_189 = arith.constant 4096 : i32
        %mul3A_190 = arith.muli %add3A_188, %mul3A_189 : i32
        %dma_start3A_191 = tpu.memref_slice %arg10[%mul3A_190] : memref<204800xi32, #tpu.memory_space<vmem_shared>> -> memref<4096xi32, #tpu.memory_space<vmem_shared>>
        %dma_start3A_192 = tpu.memref_slice %arg10[%mul3A_190] : memref<204800xi32, #tpu.memory_space<vmem_shared>> -> memref<4096xi32, #tpu.memory_space<vmem_shared>>
        tpu.enqueue_dma source(%dma_start3A_192 : memref<4096xi32, #tpu.memory_space<vmem_shared>>) target(%arg6 : memref<4096xi32, #tpu.memory_space<vmem>>) target_semaphore(%arg11 : memref<!tpu.dma_semaphore, #tpu.memory_space<semaphore_mem>>)
      } else {
      }
      %gt3A_171 = arith.constant 0 : i32
      %gt3A_172 = arith.cmpi sgt, %scan3A_133, %gt3A_171 : i32
      %convert_element_type3A_173 = arith.extui %gt3A_172 : i1 to i32
      %cond3A_174 = arith.constant 0 : i32
      %cond3A_175 = arith.cmpi ne, %convert_element_type3A_173, %cond3A_174 : i32
      scf.if %cond3A_175 {
        %sub3A_187 = arith.constant 2 : i32
        %sub3A_188 = arith.subi %add3A_139, %sub3A_187 : i32
        %dma_wait3A_189 = arith.constant 0 : i32
        %dma_wait3A_190 = arith.constant 0 : i32
        %dma_wait3A_191 = tpu.memref_slice %arg4[%sub3A_188, %select_n3A_88, %dma_wait3A_189, %select_n3A_104, %dma_wait3A_190] : memref<50x8x32x8x128xf32, #tpu.memory_space<hbm>> -> memref<1x1x32x1x128xf32, #tpu.memory_space<hbm>>
        %dma_wait3A_192 = tpu.memref_squeeze %dma_wait3A_191 : memref<1x1x32x1x128xf32, #tpu.memory_space<hbm>> -> memref<32x128xf32, #tpu.memory_space<hbm>>
        %dma_wait3A_193 = arith.constant 0 : i32
        %dma_wait3A_194 = arith.constant 0 : i32
        %dma_wait3A_195 = tpu.memref_slice %arg4[%sub3A_188, %select_n3A_88, %dma_wait3A_193, %select_n3A_104, %dma_wait3A_194] : memref<50x8x32x8x128xf32, #tpu.memory_space<hbm>> -> memref<1x1x32x1x128xf32, #tpu.memory_space<hbm>>
        %dma_wait3A_196 = tpu.memref_squeeze %dma_wait3A_195 : memref<1x1x32x1x128xf32, #tpu.memory_space<hbm>> -> memref<32x128xf32, #tpu.memory_space<hbm>>
        tpu.wait_dma2 semaphore(%arg14 : memref<!tpu.dma_semaphore, #tpu.memory_space<semaphore_mem>>) src(%arg9 : memref<32x128xf32, #tpu.memory_space<vmem>>) dst(%dma_wait3A_196 : memref<32x128xf32, #tpu.memory_space<hbm>>)
      } else {
      }
      %parallel_loop3A_176 = arith.constant 0 : i32
      %parallel_loop3A_177 = arith.constant 256 : i32
      %parallel_loop3A_178 = arith.constant 1 : i32
      scf.for %parallel_loop3A_187 = %parallel_loop3A_176 to %parallel_loop3A_177 step %parallel_loop3A_178  : i32 {
        %parallel_loop3A_188 = arith.constant 16 : i32
        %parallel_loop3A_189 = arith.muli %parallel_loop3A_187, %parallel_loop3A_188 : i32
        %parallel_loop3A_190 = arith.index_cast %parallel_loop3A_189 : i32 to index
        %parallel_loop3A_191 = tpu.vector_load %arg7[%parallel_loop3A_190] {strides = array<i32>} : memref<4096xi32, #tpu.memory_space<vmem>>, vector<16xi32>,
        %parallel_loop3A_192 = tpu.vector_load_idx %arg5[%parallel_loop3A_191] : memref<100000xf32, #tpu.memory_space<vmem>>[vector<16xi32>], vector<16xf32>,
        %parallel_loop3A_193 = arith.constant 8 : i32
        %parallel_loop3A_194 = arith.divsi %parallel_loop3A_187, %parallel_loop3A_193 : i32
        %parallel_loop3A_195 = arith.constant 0 : i32
        %parallel_loop3A_196 = arith.cmpi sgt, %parallel_loop3A_187, %parallel_loop3A_195 : i32
        %parallel_loop3A_197 = arith.extui %parallel_loop3A_196 : i1 to i32
        %parallel_loop3A_198 = arith.constant 0 : i32
        %parallel_loop3A_199 = arith.cmpi slt, %parallel_loop3A_187, %parallel_loop3A_198 : i32
        %parallel_loop3A_200 = arith.extui %parallel_loop3A_199 : i1 to i32
        %parallel_loop3A_201 = arith.subi %parallel_loop3A_197, %parallel_loop3A_200 : i32
        %parallel_loop3A_202 = arith.constant 0 : i32
        %parallel_loop3A_203 = arith.cmpi sgt, %parallel_loop3A_193, %parallel_loop3A_202 : i32
        %parallel_loop3A_204 = arith.extui %parallel_loop3A_203 : i1 to i32
        %parallel_loop3A_205 = arith.constant 0 : i32
        %parallel_loop3A_206 = arith.cmpi slt, %parallel_loop3A_193, %parallel_loop3A_205 : i32
        %parallel_loop3A_207 = arith.extui %parallel_loop3A_206 : i1 to i32
        %parallel_loop3A_208 = arith.subi %parallel_loop3A_204, %parallel_loop3A_207 : i32
        %parallel_loop3A_209 = arith.cmpi ne, %parallel_loop3A_201, %parallel_loop3A_208 : i32
        %parallel_loop3A_210 = arith.remsi %parallel_loop3A_187, %parallel_loop3A_193 : i32
        %parallel_loop3A_211 = arith.constant 0 : i32
        %parallel_loop3A_212 = arith.cmpi ne, %parallel_loop3A_210, %parallel_loop3A_211 : i32
        %parallel_loop3A_213 = arith.andi %parallel_loop3A_209, %parallel_loop3A_212 : i1
        %parallel_loop3A_214 = arith.constant 1 : i32
        %parallel_loop3A_215 = arith.subi %parallel_loop3A_194, %parallel_loop3A_214 : i32
        %parallel_loop3A_216 = arith.select %parallel_loop3A_213, %parallel_loop3A_215, %parallel_loop3A_194 : i32
        %parallel_loop3A_217 = arith.constant 8 : i32
        %parallel_loop3A_218 = arith.constant 0 : i32
        %parallel_loop3A_219 = arith.cmpi eq, %parallel_loop3A_217, %parallel_loop3A_218 : i32
        %parallel_loop3A_220 = arith.constant 1 : i32
        %parallel_loop3A_221 = arith.select %parallel_loop3A_219, %parallel_loop3A_220, %parallel_loop3A_217 : i32
        %parallel_loop3A_222 = arith.remsi %parallel_loop3A_187, %parallel_loop3A_221 : i32
        %parallel_loop3A_223 = arith.constant 0 : i32
        %parallel_loop3A_224 = arith.cmpi ne, %parallel_loop3A_222, %parallel_loop3A_223 : i32
        %parallel_loop3A_225 = arith.constant 0 : i32
        %parallel_loop3A_226 = arith.cmpi slt, %parallel_loop3A_222, %parallel_loop3A_225 : i32
        %parallel_loop3A_227 = arith.constant 0 : i32
        %parallel_loop3A_228 = arith.cmpi slt, %parallel_loop3A_221, %parallel_loop3A_227 : i32
        %parallel_loop3A_229 = arith.xori %parallel_loop3A_226, %parallel_loop3A_228 : i1
        %parallel_loop3A_230 = arith.andi %parallel_loop3A_229, %parallel_loop3A_224 : i1
        %parallel_loop3A_231 = arith.addi %parallel_loop3A_222, %parallel_loop3A_221 : i32
        %parallel_loop3A_232 = arith.select %parallel_loop3A_230, %parallel_loop3A_231, %parallel_loop3A_222 : i32
        %parallel_loop3A_233 = arith.constant 16 : i32
        %parallel_loop3A_234 = arith.muli %parallel_loop3A_232, %parallel_loop3A_233 : i32
        %parallel_loop3A_235 = arith.index_cast %parallel_loop3A_216 : i32 to index
        %parallel_loop3A_236 = arith.index_cast %parallel_loop3A_234 : i32 to index
        %parallel_loop3A_237 = tpu.vector_load %arg9[%parallel_loop3A_235, %parallel_loop3A_236] {strides = array<i32>} : memref<32x128xf32, #tpu.memory_space<vmem>>, vector<16xf32>,
        tpu.vector_store %arg9[%parallel_loop3A_235, %parallel_loop3A_236], %parallel_loop3A_192 {strides = array<i32>} : memref<32x128xf32, #tpu.memory_space<vmem>>, vector<16xf32>,
      } {sc.loop_unroll_factor = 8 : i64, sc.parallel_access}
      %dma_start3A_179 = arith.constant 0 : i32
      %dma_start3A_180 = arith.constant 0 : i32
      %dma_start3A_181 = tpu.memref_slice %arg4[%add3A_139, %select_n3A_88, %dma_start3A_179, %select_n3A_104, %dma_start3A_180] : memref<50x8x32x8x128xf32, #tpu.memory_space<hbm>> -> memref<1x1x32x1x128xf32, #tpu.memory_space<hbm>>
      %dma_start3A_182 = tpu.memref_squeeze %dma_start3A_181 : memref<1x1x32x1x128xf32, #tpu.memory_space<hbm>> -> memref<32x128xf32, #tpu.memory_space<hbm>>
      %dma_start3A_183 = arith.constant 0 : i32
      %dma_start3A_184 = arith.constant 0 : i32
      %dma_start3A_185 = tpu.memref_slice %arg4[%add3A_139, %select_n3A_88, %dma_start3A_183, %select_n3A_104, %dma_start3A_184] : memref<50x8x32x8x128xf32, #tpu.memory_space<hbm>> -> memref<1x1x32x1x128xf32, #tpu.memory_space<hbm>>
      %dma_start3A_186 = tpu.memref_squeeze %dma_start3A_185 : memref<1x1x32x1x128xf32, #tpu.memory_space<hbm>> -> memref<32x128xf32, #tpu.memory_space<hbm>>
      tpu.enqueue_dma source(%arg9 : memref<32x128xf32, #tpu.memory_space<vmem>>) target(%dma_start3A_186 : memref<32x128xf32, #tpu.memory_space<hbm>>) target_semaphore(%arg14 : memref<!tpu.dma_semaphore, #tpu.memory_space<semaphore_mem>>)
    }
    %scan3A_114 = arith.constant 25 : i32
    %dma_wait3A_115 = arith.constant 48 : i32
    %dma_wait3A_116 = arith.constant 0 : i32
    %dma_wait3A_117 = arith.constant 0 : i32
    %dma_wait3A_118 = tpu.memref_slice %arg4[%dma_wait3A_115, %select_n3A_88, %dma_wait3A_116, %select_n3A_104, %dma_wait3A_117] : memref<50x8x32x8x128xf32, #tpu.memory_space<hbm>> -> memref<1x1x32x1x128xf32, #tpu.memory_space<hbm>>
    %dma_wait3A_119 = tpu.memref_squeeze %dma_wait3A_118 : memref<1x1x32x1x128xf32, #tpu.memory_space<hbm>> -> memref<32x128xf32, #tpu.memory_space<hbm>>
    %dma_wait3A_120 = arith.constant 0 : i32
    %dma_wait3A_121 = arith.constant 0 : i32
    %dma_wait3A_122 = tpu.memref_slice %arg4[%dma_wait3A_115, %select_n3A_88, %dma_wait3A_120, %select_n3A_104, %dma_wait3A_121] : memref<50x8x32x8x128xf32, #tpu.memory_space<hbm>> -> memref<1x1x32x1x128xf32, #tpu.memory_space<hbm>>
    %dma_wait3A_123 = tpu.memref_squeeze %dma_wait3A_122 : memref<1x1x32x1x128xf32, #tpu.memory_space<hbm>> -> memref<32x128xf32, #tpu.memory_space<hbm>>
    tpu.wait_dma2 semaphore(%arg13 : memref<!tpu.dma_semaphore, #tpu.memory_space<semaphore_mem>>) src(%arg8 : memref<32x128xf32, #tpu.memory_space<vmem>>) dst(%dma_wait3A_123 : memref<32x128xf32, #tpu.memory_space<hbm>>)
    %dma_wait3A_124 = arith.constant 49 : i32
    %dma_wait3A_125 = arith.constant 0 : i32
    %dma_wait3A_126 = arith.constant 0 : i32
    %dma_wait3A_127 = tpu.memref_slice %arg4[%dma_wait3A_124, %select_n3A_88, %dma_wait3A_125, %select_n3A_104, %dma_wait3A_126] : memref<50x8x32x8x128xf32, #tpu.memory_space<hbm>> -> memref<1x1x32x1x128xf32, #tpu.memory_space<hbm>>
    %dma_wait3A_128 = tpu.memref_squeeze %dma_wait3A_127 : memref<1x1x32x1x128xf32, #tpu.memory_space<hbm>> -> memref<32x128xf32, #tpu.memory_space<hbm>>
    %dma_wait3A_129 = arith.constant 0 : i32
    %dma_wait3A_130 = arith.constant 0 : i32
    %dma_wait3A_131 = tpu.memref_slice %arg4[%dma_wait3A_124, %select_n3A_88, %dma_wait3A_129, %select_n3A_104, %dma_wait3A_130] : memref<50x8x32x8x128xf32, #tpu.memory_space<hbm>> -> memref<1x1x32x1x128xf32, #tpu.memory_space<hbm>>
    %dma_wait3A_132 = tpu.memref_squeeze %dma_wait3A_131 : memref<1x1x32x1x128xf32, #tpu.memory_space<hbm>> -> memref<32x128xf32, #tpu.memory_space<hbm>>
    tpu.wait_dma2 semaphore(%arg14 : memref<!tpu.dma_semaphore, #tpu.memory_space<semaphore_mem>>) src(%arg9 : memref<32x128xf32, #tpu.memory_space<vmem>>) dst(%dma_wait3A_132 : memref<32x128xf32, #tpu.memory_space<hbm>>)
    return
  }
}

#map = affine_map<(d0, d1) -> (0)>
#map1 = affine_map<(d0, d1) -> (0, 0)>
#map2 = affine_map<(d0, d1) -> (0, 0, 0, 0, 0)>
module attributes {stable_mosaic.version = 14 : i64} {
  func.func @_emb_kernel(%arg0: i32, %arg1: i32, %arg2: memref<204800xi32, #tpu.memory_space<hbm>>, %arg3: memref<64x100000xf32, #tpu.memory_space<hbm>>, %arg4: memref<50x8x32x8x128xf32, #tpu.memory_space<hbm>>, %arg5: memref<100000xf32, #tpu.memory_space<vmem>>, %arg6: memref<4096xi32, #tpu.memory_space<vmem>>, %arg7: memref<4096xi32, #tpu.memory_space<vmem>>, %arg8: memref<32x128xf32, #tpu.memory_space<vmem>>, %arg9: memref<32x128xf32, #tpu.memory_space<vmem>>, %arg10: memref<204800xi32, #tpu.memory_space<vmem_shared>>, %arg11: memref<!tpu.dma_semaphore, #tpu.memory_space<semaphore_mem>>, %arg12: memref<!tpu.dma_semaphore, #tpu.memory_space<semaphore_mem>>, %arg13: memref<!tpu.dma_semaphore, #tpu.memory_space<semaphore_mem>>, %arg14: memref<!tpu.dma_semaphore, #tpu.memory_space<semaphore_mem>>) attributes {dimension_semantics = [#tpu.dimension_semantics<core_parallel>, #tpu.dimension_semantics<subcore_parallel>], iteration_bounds = array<i64: 2, 16>, scalar_prefetch = 0 : i64, scratch_operands = 10 : i64, tpu.core_type = #tpu.core_type<sc_vector_subcore>, window_params = [{transform_indices = #map}, {transform_indices = #map1}, {transform_indices = #map2}]} {
    %mul3A = arith.constant 2 : i32
    %mul3A_0 = arith.muli %arg1, %mul3A : i32
    %add3A = arith.addi %mul3A_0, %arg0 : i32
    %eq3A = arith.constant 0 : i32
    %eq3A_1 = arith.cmpi eq, %arg1, %eq3A : i32
    %convert_element_type3A = arith.extui %eq3A_1 : i1 to i32
    %cond3A = arith.constant 0 : i32
    %cond3A_2 = arith.cmpi ne, %convert_element_type3A, %cond3A : i32
    scf.if %cond3A_2 {
      "tpu.region"() ({
        %run_scoped3A = tpu.sem_alloc : memref<!tpu.dma_semaphore, #tpu.memory_space<semaphore_mem>>
        tpu.enqueue_dma source(%arg2 : memref<204800xi32, #tpu.memory_space<hbm>>) target(%arg10 : memref<204800xi32, #tpu.memory_space<vmem_shared>>) target_semaphore(%run_scoped3A : memref<!tpu.dma_semaphore, #tpu.memory_space<semaphore_mem>>)
        tpu.wait_dma2 semaphore(%run_scoped3A : memref<!tpu.dma_semaphore, #tpu.memory_space<semaphore_mem>>) src(%arg2 : memref<204800xi32, #tpu.memory_space<hbm>>) dst(%arg10 : memref<204800xi32, #tpu.memory_space<vmem_shared>>)
        tpu.yield
      }) : () -> ()
    } else {
    }
    %barrier3A = arith.constant 0 : index
    tpu.barrier barrier_id(%barrier3A)
    %mul3A_3 = arith.constant 2 : i32
    %mul3A_4 = arith.muli %add3A, %mul3A_3 : i32
    %add3A_5 = arith.constant 0 : i32
    %add3A_6 = arith.addi %mul3A_4, %add3A_5 : i32
    %jit3A = arith.constant 8 : i32
    %div3A = arith.divsi %add3A_6, %jit3A : i32
    %sign3A = arith.constant 0 : i32
    %sign3A_7 = arith.cmpi sgt, %add3A_6, %sign3A : i32
    %sign3A_8 = arith.extui %sign3A_7 : i1 to i32
    %sign3A_9 = arith.constant 0 : i32
    %sign3A_10 = arith.cmpi slt, %add3A_6, %sign3A_9 : i32
    %sign3A_11 = arith.extui %sign3A_10 : i1 to i32
    %sign3A_12 = arith.subi %sign3A_8, %sign3A_11 : i32
    %sign3A_13 = arith.constant 0 : i32
    %sign3A_14 = arith.cmpi sgt, %jit3A, %sign3A_13 : i32
    %sign3A_15 = arith.extui %sign3A_14 : i1 to i32
    %sign3A_16 = arith.constant 0 : i32
    %sign3A_17 = arith.cmpi slt, %jit3A, %sign3A_16 : i32
    %sign3A_18 = arith.extui %sign3A_17 : i1 to i32
    %sign3A_19 = arith.subi %sign3A_15, %sign3A_18 : i32
    %ne3A = arith.cmpi ne, %sign3A_12, %sign3A_19 : i32
    %rem3A = arith.remsi %add3A_6, %jit3A : i32
    %ne3A_20 = arith.constant 0 : i32
    %ne3A_21 = arith.cmpi ne, %rem3A, %ne3A_20 : i32
    %and3A = arith.andi %ne3A, %ne3A_21 : i1
    %sub3A = arith.constant 1 : i32
    %sub3A_22 = arith.subi %div3A, %sub3A : i32
    %select_n3A = arith.select %and3A, %sub3A_22, %div3A : i32
    %jit3A_23 = arith.constant 8 : i32
    %eq3A_24 = arith.constant 0 : i32
    %eq3A_25 = arith.cmpi eq, %jit3A_23, %eq3A_24 : i32
    %jit3A_26 = arith.constant 1 : i32
    %select_n3A_27 = arith.select %eq3A_25, %jit3A_26, %jit3A_23 : i32
    %rem3A_28 = arith.remsi %add3A_6, %select_n3A_27 : i32
    %ne3A_29 = arith.constant 0 : i32
    %ne3A_30 = arith.cmpi ne, %rem3A_28, %ne3A_29 : i32
    %lt3A = arith.constant 0 : i32
    %lt3A_31 = arith.cmpi slt, %rem3A_28, %lt3A : i32
    %lt3A_32 = arith.constant 0 : i32
    %lt3A_33 = arith.cmpi slt, %select_n3A_27, %lt3A_32 : i32
    %ne3A_34 = arith.xori %lt3A_31, %lt3A_33 : i1
    %and3A_35 = arith.andi %ne3A_34, %ne3A_30 : i1
    %add3A_36 = arith.addi %rem3A_28, %select_n3A_27 : i32
    %select_n3A_37 = arith.select %and3A_35, %add3A_36, %rem3A_28 : i32
    "tpu.region"() ({
      %run_scoped3A = tpu.sem_alloc : memref<!tpu.dma_semaphore, #tpu.memory_space<semaphore_mem>>
      %dma_start3A_133 = arith.constant 0 : i32
      %dma_start3A_134 = tpu.memref_slice %arg3[%add3A_6, %dma_start3A_133] : memref<64x100000xf32, #tpu.memory_space<hbm>> -> memref<1x100000xf32, #tpu.memory_space<hbm>>
      %dma_start3A_135 = tpu.memref_squeeze %dma_start3A_134 : memref<1x100000xf32, #tpu.memory_space<hbm>> -> memref<100000xf32, #tpu.memory_space<hbm>>
      %dma_start3A_136 = arith.constant 0 : i32
      %dma_start3A_137 = tpu.memref_slice %arg3[%add3A_6, %dma_start3A_136] : memref<64x100000xf32, #tpu.memory_space<hbm>> -> memref<1x100000xf32, #tpu.memory_space<hbm>>
      %dma_start3A_138 = tpu.memref_squeeze %dma_start3A_137 : memref<1x100000xf32, #tpu.memory_space<hbm>> -> memref<100000xf32, #tpu.memory_space<hbm>>
      tpu.enqueue_dma source(%dma_start3A_138 : memref<100000xf32, #tpu.memory_space<hbm>>) target(%arg5 : memref<100000xf32, #tpu.memory_space<vmem>>) target_semaphore(%run_scoped3A : memref<!tpu.dma_semaphore, #tpu.memory_space<semaphore_mem>>)
      %dma_wait3A_139 = arith.constant 0 : i32
      %dma_wait3A_140 = tpu.memref_slice %arg3[%add3A_6, %dma_wait3A_139] : memref<64x100000xf32, #tpu.memory_space<hbm>> -> memref<1x100000xf32, #tpu.memory_space<hbm>>
      %dma_wait3A_141 = tpu.memref_squeeze %dma_wait3A_140 : memref<1x100000xf32, #tpu.memory_space<hbm>> -> memref<100000xf32, #tpu.memory_space<hbm>>
      %dma_wait3A_142 = arith.constant 0 : i32
      %dma_wait3A_143 = tpu.memref_slice %arg3[%add3A_6, %dma_wait3A_142] : memref<64x100000xf32, #tpu.memory_space<hbm>> -> memref<1x100000xf32, #tpu.memory_space<hbm>>
      %dma_wait3A_144 = tpu.memref_squeeze %dma_wait3A_143 : memref<1x100000xf32, #tpu.memory_space<hbm>> -> memref<100000xf32, #tpu.memory_space<hbm>>
      tpu.wait_dma2 semaphore(%run_scoped3A : memref<!tpu.dma_semaphore, #tpu.memory_space<semaphore_mem>>) src(%dma_wait3A_144 : memref<100000xf32, #tpu.memory_space<hbm>>) dst(%arg5 : memref<100000xf32, #tpu.memory_space<vmem>>)
      tpu.yield
    }) : () -> ()
    %dma_start3A = arith.constant 0 : i32
    %dma_start3A_38 = tpu.memref_slice %arg10[%dma_start3A] : memref<204800xi32, #tpu.memory_space<vmem_shared>> -> memref<4096xi32, #tpu.memory_space<vmem_shared>>
    %dma_start3A_39 = arith.constant 0 : i32
    %dma_start3A_40 = tpu.memref_slice %arg10[%dma_start3A_39] : memref<204800xi32, #tpu.memory_space<vmem_shared>> -> memref<4096xi32, #tpu.memory_space<vmem_shared>>
    tpu.enqueue_dma source(%dma_start3A_40 : memref<4096xi32, #tpu.memory_space<vmem_shared>>) target(%arg6 : memref<4096xi32, #tpu.memory_space<vmem>>) target_semaphore(%arg11 : memref<!tpu.dma_semaphore, #tpu.memory_space<semaphore_mem>>)
    %scan3A = arith.constant 0 : i32
    %scan3A_41 = arith.constant 0 : i32
    %scan3A_42 = arith.constant 25 : i32
    %scan3A_43 = arith.addi %scan3A_41, %scan3A_42 : i32
    %scan3A_44 = arith.constant 1 : i32
    scf.for %scan3A_133 = %scan3A_41 to %scan3A_43 step %scan3A_44  : i32 {
      %mul3A_134 = arith.constant 2 : i32
      %mul3A_135 = arith.muli %mul3A_134, %scan3A_133 : i32
      %mul3A_136 = arith.constant 2 : i32
      %mul3A_137 = arith.muli %mul3A_136, %scan3A_133 : i32
      %add3A_138 = arith.constant 1 : i32
      %add3A_139 = arith.addi %mul3A_137, %add3A_138 : i32
      %mul3A_140 = arith.constant 4096 : i32
      %mul3A_141 = arith.muli %mul3A_135, %mul3A_140 : i32
      %dma_wait3A_142 = tpu.memref_slice %arg10[%mul3A_141] : memref<204800xi32, #tpu.memory_space<vmem_shared>> -> memref<4096xi32, #tpu.memory_space<vmem_shared>>
      %dma_wait3A_143 = tpu.memref_slice %arg10[%mul3A_141] : memref<204800xi32, #tpu.memory_space<vmem_shared>> -> memref<4096xi32, #tpu.memory_space<vmem_shared>>
      tpu.wait_dma2 semaphore(%arg11 : memref<!tpu.dma_semaphore, #tpu.memory_space<semaphore_mem>>) src(%dma_wait3A_143 : memref<4096xi32, #tpu.memory_space<vmem_shared>>) dst(%arg6 : memref<4096xi32, #tpu.memory_space<vmem>>)
      %mul3A_144 = arith.constant 4096 : i32
      %mul3A_145 = arith.muli %add3A_139, %mul3A_144 : i32
      %dma_start3A_146 = tpu.memref_slice %arg10[%mul3A_145] : memref<204800xi32, #tpu.memory_space<vmem_shared>> -> memref<4096xi32, #tpu.memory_space<vmem_shared>>
      %dma_start3A_147 = tpu.memref_slice %arg10[%mul3A_145] : memref<204800xi32, #tpu.memory_space<vmem_shared>> -> memref<4096xi32, #tpu.memory_space<vmem_shared>>
      tpu.enqueue_dma source(%dma_start3A_147 : memref<4096xi32, #tpu.memory_space<vmem_shared>>) target(%arg7 : memref<4096xi32, #tpu.memory_space<vmem>>) target_semaphore(%arg12 : memref<!tpu.dma_semaphore, #tpu.memory_space<semaphore_mem>>)
      %gt3A = arith.constant 0 : i32
      %gt3A_148 = arith.cmpi sgt, %scan3A_133, %gt3A : i32
      %convert_element_type3A_149 = arith.extui %gt3A_148 : i1 to i32
      %cond3A_150 = arith.constant 0 : i32
      %cond3A_151 = arith.cmpi ne, %convert_element_type3A_149, %cond3A_150 : i32
      scf.if %cond3A_151 {
        %sub3A_187 = arith.constant 2 : i32
        %sub3A_188 = arith.subi %mul3A_135, %sub3A_187 : i32
        %dma_wait3A_189 = arith.constant 0 : i32
        %dma_wait3A_190 = arith.constant 0 : i32
        %dma_wait3A_191 = tpu.memref_slice %arg4[%sub3A_188, %select_n3A, %dma_wait3A_189, %select_n3A_37, %dma_wait3A_190] : memref<50x8x32x8x128xf32, #tpu.memory_space<hbm>> -> memref<1x1x32x1x128xf32, #tpu.memory_space<hbm>>
        %dma_wait3A_192 = tpu.memref_squeeze %dma_wait3A_191 : memref<1x1x32x1x128xf32, #tpu.memory_space<hbm>> -> memref<32x128xf32, #tpu.memory_space<hbm>>
        %dma_wait3A_193 = arith.constant 0 : i32
        %dma_wait3A_194 = arith.constant 0 : i32
        %dma_wait3A_195 = tpu.memref_slice %arg4[%sub3A_188, %select_n3A, %dma_wait3A_193, %select_n3A_37, %dma_wait3A_194] : memref<50x8x32x8x128xf32, #tpu.memory_space<hbm>> -> memref<1x1x32x1x128xf32, #tpu.memory_space<hbm>>
        %dma_wait3A_196 = tpu.memref_squeeze %dma_wait3A_195 : memref<1x1x32x1x128xf32, #tpu.memory_space<hbm>> -> memref<32x128xf32, #tpu.memory_space<hbm>>
        tpu.wait_dma2 semaphore(%arg13 : memref<!tpu.dma_semaphore, #tpu.memory_space<semaphore_mem>>) src(%arg8 : memref<32x128xf32, #tpu.memory_space<vmem>>) dst(%dma_wait3A_196 : memref<32x128xf32, #tpu.memory_space<hbm>>)
      } else {
      }
      %parallel_loop3A = arith.constant 0 : i32
      %parallel_loop3A_152 = arith.constant 256 : i32
      %parallel_loop3A_153 = arith.constant 1 : i32
      scf.for %parallel_loop3A_187 = %parallel_loop3A to %parallel_loop3A_152 step %parallel_loop3A_153  : i32 {
        %parallel_loop3A_188 = arith.constant 16 : i32
        %parallel_loop3A_189 = arith.muli %parallel_loop3A_187, %parallel_loop3A_188 : i32
        %parallel_loop3A_190 = arith.index_cast %parallel_loop3A_189 : i32 to index
        %parallel_loop3A_191 = tpu.vector_load %arg6[%parallel_loop3A_190] {strides = array<i32>} : memref<4096xi32, #tpu.memory_space<vmem>>, vector<16xi32>,
        %parallel_loop3A_192 = tpu.vector_load_idx %arg5[%parallel_loop3A_191] : memref<100000xf32, #tpu.memory_space<vmem>>[vector<16xi32>], vector<16xf32>,
        %parallel_loop3A_193 = arith.constant 8 : i32
        %parallel_loop3A_194 = arith.divsi %parallel_loop3A_187, %parallel_loop3A_193 : i32
        %parallel_loop3A_195 = arith.constant 0 : i32
        %parallel_loop3A_196 = arith.cmpi sgt, %parallel_loop3A_187, %parallel_loop3A_195 : i32
        %parallel_loop3A_197 = arith.extui %parallel_loop3A_196 : i1 to i32
        %parallel_loop3A_198 = arith.constant 0 : i32
        %parallel_loop3A_199 = arith.cmpi slt, %parallel_loop3A_187, %parallel_loop3A_198 : i32
        %parallel_loop3A_200 = arith.extui %parallel_loop3A_199 : i1 to i32
        %parallel_loop3A_201 = arith.subi %parallel_loop3A_197, %parallel_loop3A_200 : i32
        %parallel_loop3A_202 = arith.constant 0 : i32
        %parallel_loop3A_203 = arith.cmpi sgt, %parallel_loop3A_193, %parallel_loop3A_202 : i32
        %parallel_loop3A_204 = arith.extui %parallel_loop3A_203 : i1 to i32
        %parallel_loop3A_205 = arith.constant 0 : i32
        %parallel_loop3A_206 = arith.cmpi slt, %parallel_loop3A_193, %parallel_loop3A_205 : i32
        %parallel_loop3A_207 = arith.extui %parallel_loop3A_206 : i1 to i32
        %parallel_loop3A_208 = arith.subi %parallel_loop3A_204, %parallel_loop3A_207 : i32
        %parallel_loop3A_209 = arith.cmpi ne, %parallel_loop3A_201, %parallel_loop3A_208 : i32
        %parallel_loop3A_210 = arith.remsi %parallel_loop3A_187, %parallel_loop3A_193 : i32
        %parallel_loop3A_211 = arith.constant 0 : i32
        %parallel_loop3A_212 = arith.cmpi ne, %parallel_loop3A_210, %parallel_loop3A_211 : i32
        %parallel_loop3A_213 = arith.andi %parallel_loop3A_209, %parallel_loop3A_212 : i1
        %parallel_loop3A_214 = arith.constant 1 : i32
        %parallel_loop3A_215 = arith.subi %parallel_loop3A_194, %parallel_loop3A_214 : i32
        %parallel_loop3A_216 = arith.select %parallel_loop3A_213, %parallel_loop3A_215, %parallel_loop3A_194 : i32
        %parallel_loop3A_217 = arith.constant 8 : i32
        %parallel_loop3A_218 = arith.constant 0 : i32
        %parallel_loop3A_219 = arith.cmpi eq, %parallel_loop3A_217, %parallel_loop3A_218 : i32
        %parallel_loop3A_220 = arith.constant 1 : i32
        %parallel_loop3A_221 = arith.select %parallel_loop3A_219, %parallel_loop3A_220, %parallel_loop3A_217 : i32
        %parallel_loop3A_222 = arith.remsi %parallel_loop3A_187, %parallel_loop3A_221 : i32
        %parallel_loop3A_223 = arith.constant 0 : i32
        %parallel_loop3A_224 = arith.cmpi ne, %parallel_loop3A_222, %parallel_loop3A_223 : i32
        %parallel_loop3A_225 = arith.constant 0 : i32
        %parallel_loop3A_226 = arith.cmpi slt, %parallel_loop3A_222, %parallel_loop3A_225 : i32
        %parallel_loop3A_227 = arith.constant 0 : i32
        %parallel_loop3A_228 = arith.cmpi slt, %parallel_loop3A_221, %parallel_loop3A_227 : i32
        %parallel_loop3A_229 = arith.xori %parallel_loop3A_226, %parallel_loop3A_228 : i1
        %parallel_loop3A_230 = arith.andi %parallel_loop3A_229, %parallel_loop3A_224 : i1
        %parallel_loop3A_231 = arith.addi %parallel_loop3A_222, %parallel_loop3A_221 : i32
        %parallel_loop3A_232 = arith.select %parallel_loop3A_230, %parallel_loop3A_231, %parallel_loop3A_222 : i32
        %parallel_loop3A_233 = arith.constant 16 : i32
        %parallel_loop3A_234 = arith.muli %parallel_loop3A_232, %parallel_loop3A_233 : i32
        %parallel_loop3A_235 = arith.index_cast %parallel_loop3A_216 : i32 to index
        %parallel_loop3A_236 = arith.index_cast %parallel_loop3A_234 : i32 to index
        %parallel_loop3A_237 = tpu.vector_load %arg8[%parallel_loop3A_235, %parallel_loop3A_236] {strides = array<i32>} : memref<32x128xf32, #tpu.memory_space<vmem>>, vector<16xf32>,
        tpu.vector_store %arg8[%parallel_loop3A_235, %parallel_loop3A_236], %parallel_loop3A_192 {strides = array<i32>} : memref<32x128xf32, #tpu.memory_space<vmem>>, vector<16xf32>,
      } {sc.loop_unroll_factor = 8 : i64, sc.parallel_access}
      %dma_start3A_154 = arith.constant 0 : i32
      %dma_start3A_155 = arith.constant 0 : i32
      %dma_start3A_156 = tpu.memref_slice %arg4[%mul3A_135, %select_n3A, %dma_start3A_154, %select_n3A_37, %dma_start3A_155] : memref<50x8x32x8x128xf32, #tpu.memory_space<hbm>> -> memref<1x1x32x1x128xf32, #tpu.memory_space<hbm>>
      %dma_start3A_157 = tpu.memref_squeeze %dma_start3A_156 : memref<1x1x32x1x128xf32, #tpu.memory_space<hbm>> -> memref<32x128xf32, #tpu.memory_space<hbm>>
      %dma_start3A_158 = arith.constant 0 : i32
      %dma_start3A_159 = arith.constant 0 : i32
      %dma_start3A_160 = tpu.memref_slice %arg4[%mul3A_135, %select_n3A, %dma_start3A_158, %select_n3A_37, %dma_start3A_159] : memref<50x8x32x8x128xf32, #tpu.memory_space<hbm>> -> memref<1x1x32x1x128xf32, #tpu.memory_space<hbm>>
      %dma_start3A_161 = tpu.memref_squeeze %dma_start3A_160 : memref<1x1x32x1x128xf32, #tpu.memory_space<hbm>> -> memref<32x128xf32, #tpu.memory_space<hbm>>
      tpu.enqueue_dma source(%arg8 : memref<32x128xf32, #tpu.memory_space<vmem>>) target(%dma_start3A_161 : memref<32x128xf32, #tpu.memory_space<hbm>>) target_semaphore(%arg13 : memref<!tpu.dma_semaphore, #tpu.memory_space<semaphore_mem>>)
      %mul3A_162 = arith.constant 4096 : i32
      %mul3A_163 = arith.muli %add3A_139, %mul3A_162 : i32
      %dma_wait3A_164 = tpu.memref_slice %arg10[%mul3A_163] : memref<204800xi32, #tpu.memory_space<vmem_shared>> -> memref<4096xi32, #tpu.memory_space<vmem_shared>>
      %dma_wait3A_165 = tpu.memref_slice %arg10[%mul3A_163] : memref<204800xi32, #tpu.memory_space<vmem_shared>> -> memref<4096xi32, #tpu.memory_space<vmem_shared>>
      tpu.wait_dma2 semaphore(%arg12 : memref<!tpu.dma_semaphore, #tpu.memory_space<semaphore_mem>>) src(%dma_wait3A_165 : memref<4096xi32, #tpu.memory_space<vmem_shared>>) dst(%arg7 : memref<4096xi32, #tpu.memory_space<vmem>>)
      %lt3A_166 = arith.constant 24 : i32
      %lt3A_167 = arith.cmpi slt, %scan3A_133, %lt3A_166 : i32
      %convert_element_type3A_168 = arith.extui %lt3A_167 : i1 to i32
      %cond3A_169 = arith.constant 0 : i32
      %cond3A_170 = arith.cmpi ne, %convert_element_type3A_168, %cond3A_169 : i32
      scf.if %cond3A_170 {
        %add3A_187 = arith.constant 2 : i32
        %add3A_188 = arith.addi %mul3A_135, %add3A_187 : i32
        %mul3A_189 = arith.constant 4096 : i32
        %mul3A_190 = arith.muli %add3A_188, %mul3A_189 : i32
        %dma_start3A_191 = tpu.memref_slice %arg10[%mul3A_190] : memref<204800xi32, #tpu.memory_space<vmem_shared>> -> memref<4096xi32, #tpu.memory_space<vmem_shared>>
        %dma_start3A_192 = tpu.memref_slice %arg10[%mul3A_190] : memref<204800xi32, #tpu.memory_space<vmem_shared>> -> memref<4096xi32, #tpu.memory_space<vmem_shared>>
        tpu.enqueue_dma source(%dma_start3A_192 : memref<4096xi32, #tpu.memory_space<vmem_shared>>) target(%arg6 : memref<4096xi32, #tpu.memory_space<vmem>>) target_semaphore(%arg11 : memref<!tpu.dma_semaphore, #tpu.memory_space<semaphore_mem>>)
      } else {
      }
      %gt3A_171 = arith.constant 0 : i32
      %gt3A_172 = arith.cmpi sgt, %scan3A_133, %gt3A_171 : i32
      %convert_element_type3A_173 = arith.extui %gt3A_172 : i1 to i32
      %cond3A_174 = arith.constant 0 : i32
      %cond3A_175 = arith.cmpi ne, %convert_element_type3A_173, %cond3A_174 : i32
      scf.if %cond3A_175 {
        %sub3A_187 = arith.constant 2 : i32
        %sub3A_188 = arith.subi %add3A_139, %sub3A_187 : i32
        %dma_wait3A_189 = arith.constant 0 : i32
        %dma_wait3A_190 = arith.constant 0 : i32
        %dma_wait3A_191 = tpu.memref_slice %arg4[%sub3A_188, %select_n3A, %dma_wait3A_189, %select_n3A_37, %dma_wait3A_190] : memref<50x8x32x8x128xf32, #tpu.memory_space<hbm>> -> memref<1x1x32x1x128xf32, #tpu.memory_space<hbm>>
        %dma_wait3A_192 = tpu.memref_squeeze %dma_wait3A_191 : memref<1x1x32x1x128xf32, #tpu.memory_space<hbm>> -> memref<32x128xf32, #tpu.memory_space<hbm>>
        %dma_wait3A_193 = arith.constant 0 : i32
        %dma_wait3A_194 = arith.constant 0 : i32
        %dma_wait3A_195 = tpu.memref_slice %arg4[%sub3A_188, %select_n3A, %dma_wait3A_193, %select_n3A_37, %dma_wait3A_194] : memref<50x8x32x8x128xf32, #tpu.memory_space<hbm>> -> memref<1x1x32x1x128xf32, #tpu.memory_space<hbm>>
        %dma_wait3A_196 = tpu.memref_squeeze %dma_wait3A_195 : memref<1x1x32x1x128xf32, #tpu.memory_space<hbm>> -> memref<32x128xf32, #tpu.memory_space<hbm>>
        tpu.wait_dma2 semaphore(%arg14 : memref<!tpu.dma_semaphore, #tpu.memory_space<semaphore_mem>>) src(%arg9 : memref<32x128xf32, #tpu.memory_space<vmem>>) dst(%dma_wait3A_196 : memref<32x128xf32, #tpu.memory_space<hbm>>)
      } else {
      }
      %parallel_loop3A_176 = arith.constant 0 : i32
      %parallel_loop3A_177 = arith.constant 256 : i32
      %parallel_loop3A_178 = arith.constant 1 : i32
      scf.for %parallel_loop3A_187 = %parallel_loop3A_176 to %parallel_loop3A_177 step %parallel_loop3A_178  : i32 {
        %parallel_loop3A_188 = arith.constant 16 : i32
        %parallel_loop3A_189 = arith.muli %parallel_loop3A_187, %parallel_loop3A_188 : i32
        %parallel_loop3A_190 = arith.index_cast %parallel_loop3A_189 : i32 to index
        %parallel_loop3A_191 = tpu.vector_load %arg7[%parallel_loop3A_190] {strides = array<i32>} : memref<4096xi32, #tpu.memory_space<vmem>>, vector<16xi32>,
        %parallel_loop3A_192 = tpu.vector_load_idx %arg5[%parallel_loop3A_191] : memref<100000xf32, #tpu.memory_space<vmem>>[vector<16xi32>], vector<16xf32>,
        %parallel_loop3A_193 = arith.constant 8 : i32
        %parallel_loop3A_194 = arith.divsi %parallel_loop3A_187, %parallel_loop3A_193 : i32
        %parallel_loop3A_195 = arith.constant 0 : i32
        %parallel_loop3A_196 = arith.cmpi sgt, %parallel_loop3A_187, %parallel_loop3A_195 : i32
        %parallel_loop3A_197 = arith.extui %parallel_loop3A_196 : i1 to i32
        %parallel_loop3A_198 = arith.constant 0 : i32
        %parallel_loop3A_199 = arith.cmpi slt, %parallel_loop3A_187, %parallel_loop3A_198 : i32
        %parallel_loop3A_200 = arith.extui %parallel_loop3A_199 : i1 to i32
        %parallel_loop3A_201 = arith.subi %parallel_loop3A_197, %parallel_loop3A_200 : i32
        %parallel_loop3A_202 = arith.constant 0 : i32
        %parallel_loop3A_203 = arith.cmpi sgt, %parallel_loop3A_193, %parallel_loop3A_202 : i32
        %parallel_loop3A_204 = arith.extui %parallel_loop3A_203 : i1 to i32
        %parallel_loop3A_205 = arith.constant 0 : i32
        %parallel_loop3A_206 = arith.cmpi slt, %parallel_loop3A_193, %parallel_loop3A_205 : i32
        %parallel_loop3A_207 = arith.extui %parallel_loop3A_206 : i1 to i32
        %parallel_loop3A_208 = arith.subi %parallel_loop3A_204, %parallel_loop3A_207 : i32
        %parallel_loop3A_209 = arith.cmpi ne, %parallel_loop3A_201, %parallel_loop3A_208 : i32
        %parallel_loop3A_210 = arith.remsi %parallel_loop3A_187, %parallel_loop3A_193 : i32
        %parallel_loop3A_211 = arith.constant 0 : i32
        %parallel_loop3A_212 = arith.cmpi ne, %parallel_loop3A_210, %parallel_loop3A_211 : i32
        %parallel_loop3A_213 = arith.andi %parallel_loop3A_209, %parallel_loop3A_212 : i1
        %parallel_loop3A_214 = arith.constant 1 : i32
        %parallel_loop3A_215 = arith.subi %parallel_loop3A_194, %parallel_loop3A_214 : i32
        %parallel_loop3A_216 = arith.select %parallel_loop3A_213, %parallel_loop3A_215, %parallel_loop3A_194 : i32
        %parallel_loop3A_217 = arith.constant 8 : i32
        %parallel_loop3A_218 = arith.constant 0 : i32
        %parallel_loop3A_219 = arith.cmpi eq, %parallel_loop3A_217, %parallel_loop3A_218 : i32
        %parallel_loop3A_220 = arith.constant 1 : i32
        %parallel_loop3A_221 = arith.select %parallel_loop3A_219, %parallel_loop3A_220, %parallel_loop3A_217 : i32
        %parallel_loop3A_222 = arith.remsi %parallel_loop3A_187, %parallel_loop3A_221 : i32
        %parallel_loop3A_223 = arith.constant 0 : i32
        %parallel_loop3A_224 = arith.cmpi ne, %parallel_loop3A_222, %parallel_loop3A_223 : i32
        %parallel_loop3A_225 = arith.constant 0 : i32
        %parallel_loop3A_226 = arith.cmpi slt, %parallel_loop3A_222, %parallel_loop3A_225 : i32
        %parallel_loop3A_227 = arith.constant 0 : i32
        %parallel_loop3A_228 = arith.cmpi slt, %parallel_loop3A_221, %parallel_loop3A_227 : i32
        %parallel_loop3A_229 = arith.xori %parallel_loop3A_226, %parallel_loop3A_228 : i1
        %parallel_loop3A_230 = arith.andi %parallel_loop3A_229, %parallel_loop3A_224 : i1
        %parallel_loop3A_231 = arith.addi %parallel_loop3A_222, %parallel_loop3A_221 : i32
        %parallel_loop3A_232 = arith.select %parallel_loop3A_230, %parallel_loop3A_231, %parallel_loop3A_222 : i32
        %parallel_loop3A_233 = arith.constant 16 : i32
        %parallel_loop3A_234 = arith.muli %parallel_loop3A_232, %parallel_loop3A_233 : i32
        %parallel_loop3A_235 = arith.index_cast %parallel_loop3A_216 : i32 to index
        %parallel_loop3A_236 = arith.index_cast %parallel_loop3A_234 : i32 to index
        %parallel_loop3A_237 = tpu.vector_load %arg9[%parallel_loop3A_235, %parallel_loop3A_236] {strides = array<i32>} : memref<32x128xf32, #tpu.memory_space<vmem>>, vector<16xf32>,
        tpu.vector_store %arg9[%parallel_loop3A_235, %parallel_loop3A_236], %parallel_loop3A_192 {strides = array<i32>} : memref<32x128xf32, #tpu.memory_space<vmem>>, vector<16xf32>,
      } {sc.loop_unroll_factor = 8 : i64, sc.parallel_access}
      %dma_start3A_179 = arith.constant 0 : i32
      %dma_start3A_180 = arith.constant 0 : i32
      %dma_start3A_181 = tpu.memref_slice %arg4[%add3A_139, %select_n3A, %dma_start3A_179, %select_n3A_37, %dma_start3A_180] : memref<50x8x32x8x128xf32, #tpu.memory_space<hbm>> -> memref<1x1x32x1x128xf32, #tpu.memory_space<hbm>>
      %dma_start3A_182 = tpu.memref_squeeze %dma_start3A_181 : memref<1x1x32x1x128xf32, #tpu.memory_space<hbm>> -> memref<32x128xf32, #tpu.memory_space<hbm>>
      %dma_start3A_183 = arith.constant 0 : i32
      %dma_start3A_184 = arith.constant 0 : i32
      %dma_start3A_185 = tpu.memref_slice %arg4[%add3A_139, %select_n3A, %dma_start3A_183, %select_n3A_37, %dma_start3A_184] : memref<50x8x32x8x128xf32, #tpu.memory_space<hbm>> -> memref<1x1x32x1x128xf32, #tpu.memory_space<hbm>>
      %dma_start3A_186 = tpu.memref_squeeze %dma_start3A_185 : memref<1x1x32x1x128xf32, #tpu.memory_space<hbm>> -> memref<32x128xf32, #tpu.memory_space<hbm>>
      tpu.enqueue_dma source(%arg9 : memref<32x128xf32, #tpu.memory_space<vmem>>) target(%dma_start3A_186 : memref<32x128xf32, #tpu.memory_space<hbm>>) target_semaphore(%arg14 : memref<!tpu.dma_semaphore, #tpu.memory_space<semaphore_mem>>)
    }
    %scan3A_45 = arith.constant 25 : i32
    %dma_wait3A = arith.constant 48 : i32
    %dma_wait3A_46 = arith.constant 0 : i32
    %dma_wait3A_47 = arith.constant 0 : i32
    %dma_wait3A_48 = tpu.memref_slice %arg4[%dma_wait3A, %select_n3A, %dma_wait3A_46, %select_n3A_37, %dma_wait3A_47] : memref<50x8x32x8x128xf32, #tpu.memory_space<hbm>> -> memref<1x1x32x1x128xf32, #tpu.memory_space<hbm>>
    %dma_wait3A_49 = tpu.memref_squeeze %dma_wait3A_48 : memref<1x1x32x1x128xf32, #tpu.memory_space<hbm>> -> memref<32x128xf32, #tpu.memory_space<hbm>>
    %dma_wait3A_50 = arith.constant 0 : i32
    %dma_wait3A_51 = arith.constant 0 : i32
    %dma_wait3A_52 = tpu.memref_slice %arg4[%dma_wait3A, %select_n3A, %dma_wait3A_50, %select_n3A_37, %dma_wait3A_51] : memref<50x8x32x8x128xf32, #tpu.memory_space<hbm>> -> memref<1x1x32x1x128xf32, #tpu.memory_space<hbm>>
    %dma_wait3A_53 = tpu.memref_squeeze %dma_wait3A_52 : memref<1x1x32x1x128xf32, #tpu.memory_space<hbm>> -> memref<32x128xf32, #tpu.memory_space<hbm>>
    tpu.wait_dma2 semaphore(%arg13 : memref<!tpu.dma_semaphore, #tpu.memory_space<semaphore_mem>>) src(%arg8 : memref<32x128xf32, #tpu.memory_space<vmem>>) dst(%dma_wait3A_53 : memref<32x128xf32, #tpu.memory_space<hbm>>)
    %dma_wait3A_54 = arith.constant 49 : i32
    %dma_wait3A_55 = arith.constant 0 : i32
    %dma_wait3A_56 = arith.constant 0 : i32
    %dma_wait3A_57 = tpu.memref_slice %arg4[%dma_wait3A_54, %select_n3A, %dma_wait3A_55, %select_n3A_37, %dma_wait3A_56] : memref<50x8x32x8x128xf32, #tpu.memory_space<hbm>> -> memref<1x1x32x1x128xf32, #tpu.memory_space<hbm>>
    %dma_wait3A_58 = tpu.memref_squeeze %dma_wait3A_57 : memref<1x1x32x1x128xf32, #tpu.memory_space<hbm>> -> memref<32x128xf32, #tpu.memory_space<hbm>>
    %dma_wait3A_59 = arith.constant 0 : i32
    %dma_wait3A_60 = arith.constant 0 : i32
    %dma_wait3A_61 = tpu.memref_slice %arg4[%dma_wait3A_54, %select_n3A, %dma_wait3A_59, %select_n3A_37, %dma_wait3A_60] : memref<50x8x32x8x128xf32, #tpu.memory_space<hbm>> -> memref<1x1x32x1x128xf32, #tpu.memory_space<hbm>>
    %dma_wait3A_62 = tpu.memref_squeeze %dma_wait3A_61 : memref<1x1x32x1x128xf32, #tpu.memory_space<hbm>> -> memref<32x128xf32, #tpu.memory_space<hbm>>
    tpu.wait_dma2 semaphore(%arg14 : memref<!tpu.dma_semaphore, #tpu.memory_space<semaphore_mem>>) src(%arg9 : memref<32x128xf32, #tpu.memory_space<vmem>>) dst(%dma_wait3A_62 : memref<32x128xf32, #tpu.memory_space<hbm>>)
    %add3A_63 = arith.constant 1 : i32
    %add3A_64 = arith.addi %mul3A_4, %add3A_63 : i32
    %jit3A_65 = arith.constant 8 : i32
    %div3A_66 = arith.divsi %add3A_64, %jit3A_65 : i32
    %sign3A_67 = arith.constant 0 : i32
    %sign3A_68 = arith.cmpi sgt, %add3A_64, %sign3A_67 : i32
    %sign3A_69 = arith.extui %sign3A_68 : i1 to i32
    %sign3A_70 = arith.constant 0 : i32
    %sign3A_71 = arith.cmpi slt, %add3A_64, %sign3A_70 : i32
    %sign3A_72 = arith.extui %sign3A_71 : i1 to i32
    %sign3A_73 = arith.subi %sign3A_69, %sign3A_72 : i32
    %sign3A_74 = arith.constant 0 : i32
    %sign3A_75 = arith.cmpi sgt, %jit3A_65, %sign3A_74 : i32
    %sign3A_76 = arith.extui %sign3A_75 : i1 to i32
    %sign3A_77 = arith.constant 0 : i32
    %sign3A_78 = arith.cmpi slt, %jit3A_65, %sign3A_77 : i32
    %sign3A_79 = arith.extui %sign3A_78 : i1 to i32
    %sign3A_80 = arith.subi %sign3A_76, %sign3A_79 : i32
    %ne3A_81 = arith.cmpi ne, %sign3A_73, %sign3A_80 : i32
    %rem3A_82 = arith.remsi %add3A_64, %jit3A_65 : i32
    %ne3A_83 = arith.constant 0 : i32
    %ne3A_84 = arith.cmpi ne, %rem3A_82, %ne3A_83 : i32
    %and3A_85 = arith.andi %ne3A_81, %ne3A_84 : i1
    %sub3A_86 = arith.constant 1 : i32
    %sub3A_87 = arith.subi %div3A_66, %sub3A_86 : i32
    %select_n3A_88 = arith.select %and3A_85, %sub3A_87, %div3A_66 : i32
    %jit3A_89 = arith.constant 8 : i32
    %eq3A_90 = arith.constant 0 : i32
    %eq3A_91 = arith.cmpi eq, %jit3A_89, %eq3A_90 : i32
    %jit3A_92 = arith.constant 1 : i32
    %select_n3A_93 = arith.select %eq3A_91, %jit3A_92, %jit3A_89 : i32
    %rem3A_94 = arith.remsi %add3A_64, %select_n3A_93 : i32
    %ne3A_95 = arith.constant 0 : i32
    %ne3A_96 = arith.cmpi ne, %rem3A_94, %ne3A_95 : i32
    %lt3A_97 = arith.constant 0 : i32
    %lt3A_98 = arith.cmpi slt, %rem3A_94, %lt3A_97 : i32
    %lt3A_99 = arith.constant 0 : i32
    %lt3A_100 = arith.cmpi slt, %select_n3A_93, %lt3A_99 : i32
    %ne3A_101 = arith.xori %lt3A_98, %lt3A_100 : i1
    %and3A_102 = arith.andi %ne3A_101, %ne3A_96 : i1
    %add3A_103 = arith.addi %rem3A_94, %select_n3A_93 : i32
    %select_n3A_104 = arith.select %and3A_102, %add3A_103, %rem3A_94 : i32
    "tpu.region"() ({
      %run_scoped3A = tpu.sem_alloc : memref<!tpu.dma_semaphore, #tpu.memory_space<semaphore_mem>>
      %dma_start3A_133 = arith.constant 0 : i32
      %dma_start3A_134 = tpu.memref_slice %arg3[%add3A_64, %dma_start3A_133] : memref<64x100000xf32, #tpu.memory_space<hbm>> -> memref<1x100000xf32, #tpu.memory_space<hbm>>
      %dma_start3A_135 = tpu.memref_squeeze %dma_start3A_134 : memref<1x100000xf32, #tpu.memory_space<hbm>> -> memref<100000xf32, #tpu.memory_space<hbm>>
      %dma_start3A_136 = arith.constant 0 : i32
      %dma_start3A_137 = tpu.memref_slice %arg3[%add3A_64, %dma_start3A_136] : memref<64x100000xf32, #tpu.memory_space<hbm>> -> memref<1x100000xf32, #tpu.memory_space<hbm>>
      %dma_start3A_138 = tpu.memref_squeeze %dma_start3A_137 : memref<1x100000xf32, #tpu.memory_space<hbm>> -> memref<100000xf32, #tpu.memory_space<hbm>>
      tpu.enqueue_dma source(%dma_start3A_138 : memref<100000xf32, #tpu.memory_space<hbm>>) target(%arg5 : memref<100000xf32, #tpu.memory_space<vmem>>) target_semaphore(%run_scoped3A : memref<!tpu.dma_semaphore, #tpu.memory_space<semaphore_mem>>)
      %dma_wait3A_139 = arith.constant 0 : i32
      %dma_wait3A_140 = tpu.memref_slice %arg3[%add3A_64, %dma_wait3A_139] : memref<64x100000xf32, #tpu.memory_space<hbm>> -> memref<1x100000xf32, #tpu.memory_space<hbm>>
      %dma_wait3A_141 = tpu.memref_squeeze %dma_wait3A_140 : memref<1x100000xf32, #tpu.memory_space<hbm>> -> memref<100000xf32, #tpu.memory_space<hbm>>
      %dma_wait3A_142 = arith.constant 0 : i32
      %dma_wait3A_143 = tpu.memref_slice %arg3[%add3A_64, %dma_wait3A_142] : memref<64x100000xf32, #tpu.memory_space<hbm>> -> memref<1x100000xf32, #tpu.memory_space<hbm>>
      %dma_wait3A_144 = tpu.memref_squeeze %dma_wait3A_143 : memref<1x100000xf32, #tpu.memory_space<hbm>> -> memref<100000xf32, #tpu.memory_space<hbm>>
      tpu.wait_dma2 semaphore(%run_scoped3A : memref<!tpu.dma_semaphore, #tpu.memory_space<semaphore_mem>>) src(%dma_wait3A_144 : memref<100000xf32, #tpu.memory_space<hbm>>) dst(%arg5 : memref<100000xf32, #tpu.memory_space<vmem>>)
      tpu.yield
    }) : () -> ()
    %dma_start3A_105 = arith.constant 0 : i32
    %dma_start3A_106 = tpu.memref_slice %arg10[%dma_start3A_105] : memref<204800xi32, #tpu.memory_space<vmem_shared>> -> memref<4096xi32, #tpu.memory_space<vmem_shared>>
    %dma_start3A_107 = arith.constant 0 : i32
    %dma_start3A_108 = tpu.memref_slice %arg10[%dma_start3A_107] : memref<204800xi32, #tpu.memory_space<vmem_shared>> -> memref<4096xi32, #tpu.memory_space<vmem_shared>>
    tpu.enqueue_dma source(%dma_start3A_108 : memref<4096xi32, #tpu.memory_space<vmem_shared>>) target(%arg6 : memref<4096xi32, #tpu.memory_space<vmem>>) target_semaphore(%arg11 : memref<!tpu.dma_semaphore, #tpu.memory_space<semaphore_mem>>)
    %scan3A_109 = arith.constant 0 : i32
    %scan3A_110 = arith.constant 0 : i32
    %scan3A_111 = arith.constant 25 : i32
    %scan3A_112 = arith.addi %scan3A_110, %scan3A_111 : i32
    %scan3A_113 = arith.constant 1 : i32
    scf.for %scan3A_133 = %scan3A_110 to %scan3A_112 step %scan3A_113  : i32 {
      %mul3A_134 = arith.constant 2 : i32
      %mul3A_135 = arith.muli %mul3A_134, %scan3A_133 : i32
      %mul3A_136 = arith.constant 2 : i32
      %mul3A_137 = arith.muli %mul3A_136, %scan3A_133 : i32
      %add3A_138 = arith.constant 1 : i32
      %add3A_139 = arith.addi %mul3A_137, %add3A_138 : i32
      %mul3A_140 = arith.constant 4096 : i32
      %mul3A_141 = arith.muli %mul3A_135, %mul3A_140 : i32
      %dma_wait3A_142 = tpu.memref_slice %arg10[%mul3A_141] : memref<204800xi32, #tpu.memory_space<vmem_shared>> -> memref<4096xi32, #tpu.memory_space<vmem_shared>>
      %dma_wait3A_143 = tpu.memref_slice %arg10[%mul3A_141] : memref<204800xi32, #tpu.memory_space<vmem_shared>> -> memref<4096xi32, #tpu.memory_space<vmem_shared>>
      tpu.wait_dma2 semaphore(%arg11 : memref<!tpu.dma_semaphore, #tpu.memory_space<semaphore_mem>>) src(%dma_wait3A_143 : memref<4096xi32, #tpu.memory_space<vmem_shared>>) dst(%arg6 : memref<4096xi32, #tpu.memory_space<vmem>>)
      %mul3A_144 = arith.constant 4096 : i32
      %mul3A_145 = arith.muli %add3A_139, %mul3A_144 : i32
      %dma_start3A_146 = tpu.memref_slice %arg10[%mul3A_145] : memref<204800xi32, #tpu.memory_space<vmem_shared>> -> memref<4096xi32, #tpu.memory_space<vmem_shared>>
      %dma_start3A_147 = tpu.memref_slice %arg10[%mul3A_145] : memref<204800xi32, #tpu.memory_space<vmem_shared>> -> memref<4096xi32, #tpu.memory_space<vmem_shared>>
      tpu.enqueue_dma source(%dma_start3A_147 : memref<4096xi32, #tpu.memory_space<vmem_shared>>) target(%arg7 : memref<4096xi32, #tpu.memory_space<vmem>>) target_semaphore(%arg12 : memref<!tpu.dma_semaphore, #tpu.memory_space<semaphore_mem>>)
      %gt3A = arith.constant 0 : i32
      %gt3A_148 = arith.cmpi sgt, %scan3A_133, %gt3A : i32
      %convert_element_type3A_149 = arith.extui %gt3A_148 : i1 to i32
      %cond3A_150 = arith.constant 0 : i32
      %cond3A_151 = arith.cmpi ne, %convert_element_type3A_149, %cond3A_150 : i32
      scf.if %cond3A_151 {
        %sub3A_187 = arith.constant 2 : i32
        %sub3A_188 = arith.subi %mul3A_135, %sub3A_187 : i32
        %dma_wait3A_189 = arith.constant 0 : i32
        %dma_wait3A_190 = arith.constant 0 : i32
        %dma_wait3A_191 = tpu.memref_slice %arg4[%sub3A_188, %select_n3A_88, %dma_wait3A_189, %select_n3A_104, %dma_wait3A_190] : memref<50x8x32x8x128xf32, #tpu.memory_space<hbm>> -> memref<1x1x32x1x128xf32, #tpu.memory_space<hbm>>
        %dma_wait3A_192 = tpu.memref_squeeze %dma_wait3A_191 : memref<1x1x32x1x128xf32, #tpu.memory_space<hbm>> -> memref<32x128xf32, #tpu.memory_space<hbm>>
        %dma_wait3A_193 = arith.constant 0 : i32
        %dma_wait3A_194 = arith.constant 0 : i32
        %dma_wait3A_195 = tpu.memref_slice %arg4[%sub3A_188, %select_n3A_88, %dma_wait3A_193, %select_n3A_104, %dma_wait3A_194] : memref<50x8x32x8x128xf32, #tpu.memory_space<hbm>> -> memref<1x1x32x1x128xf32, #tpu.memory_space<hbm>>
        %dma_wait3A_196 = tpu.memref_squeeze %dma_wait3A_195 : memref<1x1x32x1x128xf32, #tpu.memory_space<hbm>> -> memref<32x128xf32, #tpu.memory_space<hbm>>
        tpu.wait_dma2 semaphore(%arg13 : memref<!tpu.dma_semaphore, #tpu.memory_space<semaphore_mem>>) src(%arg8 : memref<32x128xf32, #tpu.memory_space<vmem>>) dst(%dma_wait3A_196 : memref<32x128xf32, #tpu.memory_space<hbm>>)
      } else {
      }
      %parallel_loop3A = arith.constant 0 : i32
      %parallel_loop3A_152 = arith.constant 256 : i32
      %parallel_loop3A_153 = arith.constant 1 : i32
      scf.for %parallel_loop3A_187 = %parallel_loop3A to %parallel_loop3A_152 step %parallel_loop3A_153  : i32 {
        %parallel_loop3A_188 = arith.constant 16 : i32
        %parallel_loop3A_189 = arith.muli %parallel_loop3A_187, %parallel_loop3A_188 : i32
        %parallel_loop3A_190 = arith.index_cast %parallel_loop3A_189 : i32 to index
        %parallel_loop3A_191 = tpu.vector_load %arg6[%parallel_loop3A_190] {strides = array<i32>} : memref<4096xi32, #tpu.memory_space<vmem>>, vector<16xi32>,
        %parallel_loop3A_192 = tpu.vector_load_idx %arg5[%parallel_loop3A_191] : memref<100000xf32, #tpu.memory_space<vmem>>[vector<16xi32>], vector<16xf32>,
        %parallel_loop3A_193 = arith.constant 8 : i32
        %parallel_loop3A_194 = arith.divsi %parallel_loop3A_187, %parallel_loop3A_193 : i32
        %parallel_loop3A_195 = arith.constant 0 : i32
        %parallel_loop3A_196 = arith.cmpi sgt, %parallel_loop3A_187, %parallel_loop3A_195 : i32
        %parallel_loop3A_197 = arith.extui %parallel_loop3A_196 : i1 to i32
        %parallel_loop3A_198 = arith.constant 0 : i32
        %parallel_loop3A_199 = arith.cmpi slt, %parallel_loop3A_187, %parallel_loop3A_198 : i32
        %parallel_loop3A_200 = arith.extui %parallel_loop3A_199 : i1 to i32
        %parallel_loop3A_201 = arith.subi %parallel_loop3A_197, %parallel_loop3A_200 : i32
        %parallel_loop3A_202 = arith.constant 0 : i32
        %parallel_loop3A_203 = arith.cmpi sgt, %parallel_loop3A_193, %parallel_loop3A_202 : i32
        %parallel_loop3A_204 = arith.extui %parallel_loop3A_203 : i1 to i32
        %parallel_loop3A_205 = arith.constant 0 : i32
        %parallel_loop3A_206 = arith.cmpi slt, %parallel_loop3A_193, %parallel_loop3A_205 : i32
        %parallel_loop3A_207 = arith.extui %parallel_loop3A_206 : i1 to i32
        %parallel_loop3A_208 = arith.subi %parallel_loop3A_204, %parallel_loop3A_207 : i32
        %parallel_loop3A_209 = arith.cmpi ne, %parallel_loop3A_201, %parallel_loop3A_208 : i32
        %parallel_loop3A_210 = arith.remsi %parallel_loop3A_187, %parallel_loop3A_193 : i32
        %parallel_loop3A_211 = arith.constant 0 : i32
        %parallel_loop3A_212 = arith.cmpi ne, %parallel_loop3A_210, %parallel_loop3A_211 : i32
        %parallel_loop3A_213 = arith.andi %parallel_loop3A_209, %parallel_loop3A_212 : i1
        %parallel_loop3A_214 = arith.constant 1 : i32
        %parallel_loop3A_215 = arith.subi %parallel_loop3A_194, %parallel_loop3A_214 : i32
        %parallel_loop3A_216 = arith.select %parallel_loop3A_213, %parallel_loop3A_215, %parallel_loop3A_194 : i32
        %parallel_loop3A_217 = arith.constant 8 : i32
        %parallel_loop3A_218 = arith.constant 0 : i32
        %parallel_loop3A_219 = arith.cmpi eq, %parallel_loop3A_217, %parallel_loop3A_218 : i32
        %parallel_loop3A_220 = arith.constant 1 : i32
        %parallel_loop3A_221 = arith.select %parallel_loop3A_219, %parallel_loop3A_220, %parallel_loop3A_217 : i32
        %parallel_loop3A_222 = arith.remsi %parallel_loop3A_187, %parallel_loop3A_221 : i32
        %parallel_loop3A_223 = arith.constant 0 : i32
        %parallel_loop3A_224 = arith.cmpi ne, %parallel_loop3A_222, %parallel_loop3A_223 : i32
        %parallel_loop3A_225 = arith.constant 0 : i32
        %parallel_loop3A_226 = arith.cmpi slt, %parallel_loop3A_222, %parallel_loop3A_225 : i32
        %parallel_loop3A_227 = arith.constant 0 : i32
        %parallel_loop3A_228 = arith.cmpi slt, %parallel_loop3A_221, %parallel_loop3A_227 : i32
        %parallel_loop3A_229 = arith.xori %parallel_loop3A_226, %parallel_loop3A_228 : i1
        %parallel_loop3A_230 = arith.andi %parallel_loop3A_229, %parallel_loop3A_224 : i1
        %parallel_loop3A_231 = arith.addi %parallel_loop3A_222, %parallel_loop3A_221 : i32
        %parallel_loop3A_232 = arith.select %parallel_loop3A_230, %parallel_loop3A_231, %parallel_loop3A_222 : i32
        %parallel_loop3A_233 = arith.constant 16 : i32
        %parallel_loop3A_234 = arith.muli %parallel_loop3A_232, %parallel_loop3A_233 : i32
        %parallel_loop3A_235 = arith.index_cast %parallel_loop3A_216 : i32 to index
        %parallel_loop3A_236 = arith.index_cast %parallel_loop3A_234 : i32 to index
        %parallel_loop3A_237 = tpu.vector_load %arg8[%parallel_loop3A_235, %parallel_loop3A_236] {strides = array<i32>} : memref<32x128xf32, #tpu.memory_space<vmem>>, vector<16xf32>,
        tpu.vector_store %arg8[%parallel_loop3A_235, %parallel_loop3A_236], %parallel_loop3A_192 {strides = array<i32>} : memref<32x128xf32, #tpu.memory_space<vmem>>, vector<16xf32>,
      } {sc.loop_unroll_factor = 8 : i64, sc.parallel_access}
      %dma_start3A_154 = arith.constant 0 : i32
      %dma_start3A_155 = arith.constant 0 : i32
      %dma_start3A_156 = tpu.memref_slice %arg4[%mul3A_135, %select_n3A_88, %dma_start3A_154, %select_n3A_104, %dma_start3A_155] : memref<50x8x32x8x128xf32, #tpu.memory_space<hbm>> -> memref<1x1x32x1x128xf32, #tpu.memory_space<hbm>>
      %dma_start3A_157 = tpu.memref_squeeze %dma_start3A_156 : memref<1x1x32x1x128xf32, #tpu.memory_space<hbm>> -> memref<32x128xf32, #tpu.memory_space<hbm>>
      %dma_start3A_158 = arith.constant 0 : i32
      %dma_start3A_159 = arith.constant 0 : i32
      %dma_start3A_160 = tpu.memref_slice %arg4[%mul3A_135, %select_n3A_88, %dma_start3A_158, %select_n3A_104, %dma_start3A_159] : memref<50x8x32x8x128xf32, #tpu.memory_space<hbm>> -> memref<1x1x32x1x128xf32, #tpu.memory_space<hbm>>
      %dma_start3A_161 = tpu.memref_squeeze %dma_start3A_160 : memref<1x1x32x1x128xf32, #tpu.memory_space<hbm>> -> memref<32x128xf32, #tpu.memory_space<hbm>>
      tpu.enqueue_dma source(%arg8 : memref<32x128xf32, #tpu.memory_space<vmem>>) target(%dma_start3A_161 : memref<32x128xf32, #tpu.memory_space<hbm>>) target_semaphore(%arg13 : memref<!tpu.dma_semaphore, #tpu.memory_space<semaphore_mem>>)
      %mul3A_162 = arith.constant 4096 : i32
      %mul3A_163 = arith.muli %add3A_139, %mul3A_162 : i32
      %dma_wait3A_164 = tpu.memref_slice %arg10[%mul3A_163] : memref<204800xi32, #tpu.memory_space<vmem_shared>> -> memref<4096xi32, #tpu.memory_space<vmem_shared>>
      %dma_wait3A_165 = tpu.memref_slice %arg10[%mul3A_163] : memref<204800xi32, #tpu.memory_space<vmem_shared>> -> memref<4096xi32, #tpu.memory_space<vmem_shared>>
      tpu.wait_dma2 semaphore(%arg12 : memref<!tpu.dma_semaphore, #tpu.memory_space<semaphore_mem>>) src(%dma_wait3A_165 : memref<4096xi32, #tpu.memory_space<vmem_shared>>) dst(%arg7 : memref<4096xi32, #tpu.memory_space<vmem>>)
      %lt3A_166 = arith.constant 24 : i32
      %lt3A_167 = arith.cmpi slt, %scan3A_133, %lt3A_166 : i32
      %convert_element_type3A_168 = arith.extui %lt3A_167 : i1 to i32
      %cond3A_169 = arith.constant 0 : i32
      %cond3A_170 = arith.cmpi ne, %convert_element_type3A_168, %cond3A_169 : i32
      scf.if %cond3A_170 {
        %add3A_187 = arith.constant 2 : i32
        %add3A_188 = arith.addi %mul3A_135, %add3A_187 : i32
        %mul3A_189 = arith.constant 4096 : i32
        %mul3A_190 = arith.muli %add3A_188, %mul3A_189 : i32
        %dma_start3A_191 = tpu.memref_slice %arg10[%mul3A_190] : memref<204800xi32, #tpu.memory_space<vmem_shared>> -> memref<4096xi32, #tpu.memory_space<vmem_shared>>
        %dma_start3A_192 = tpu.memref_slice %arg10[%mul3A_190] : memref<204800xi32, #tpu.memory_space<vmem_shared>> -> memref<4096xi32, #tpu.memory_space<vmem_shared>>
        tpu.enqueue_dma source(%dma_start3A_192 : memref<4096xi32, #tpu.memory_space<vmem_shared>>) target(%arg6 : memref<4096xi32, #tpu.memory_space<vmem>>) target_semaphore(%arg11 : memref<!tpu.dma_semaphore, #tpu.memory_space<semaphore_mem>>)
      } else {
      }
      %gt3A_171 = arith.constant 0 : i32
      %gt3A_172 = arith.cmpi sgt, %scan3A_133, %gt3A_171 : i32
      %convert_element_type3A_173 = arith.extui %gt3A_172 : i1 to i32
      %cond3A_174 = arith.constant 0 : i32
      %cond3A_175 = arith.cmpi ne, %convert_element_type3A_173, %cond3A_174 : i32
      scf.if %cond3A_175 {
        %sub3A_187 = arith.constant 2 : i32
        %sub3A_188 = arith.subi %add3A_139, %sub3A_187 : i32
        %dma_wait3A_189 = arith.constant 0 : i32
        %dma_wait3A_190 = arith.constant 0 : i32
        %dma_wait3A_191 = tpu.memref_slice %arg4[%sub3A_188, %select_n3A_88, %dma_wait3A_189, %select_n3A_104, %dma_wait3A_190] : memref<50x8x32x8x128xf32, #tpu.memory_space<hbm>> -> memref<1x1x32x1x128xf32, #tpu.memory_space<hbm>>
        %dma_wait3A_192 = tpu.memref_squeeze %dma_wait3A_191 : memref<1x1x32x1x128xf32, #tpu.memory_space<hbm>> -> memref<32x128xf32, #tpu.memory_space<hbm>>
        %dma_wait3A_193 = arith.constant 0 : i32
        %dma_wait3A_194 = arith.constant 0 : i32
        %dma_wait3A_195 = tpu.memref_slice %arg4[%sub3A_188, %select_n3A_88, %dma_wait3A_193, %select_n3A_104, %dma_wait3A_194] : memref<50x8x32x8x128xf32, #tpu.memory_space<hbm>> -> memref<1x1x32x1x128xf32, #tpu.memory_space<hbm>>
        %dma_wait3A_196 = tpu.memref_squeeze %dma_wait3A_195 : memref<1x1x32x1x128xf32, #tpu.memory_space<hbm>> -> memref<32x128xf32, #tpu.memory_space<hbm>>
        tpu.wait_dma2 semaphore(%arg14 : memref<!tpu.dma_semaphore, #tpu.memory_space<semaphore_mem>>) src(%arg9 : memref<32x128xf32, #tpu.memory_space<vmem>>) dst(%dma_wait3A_196 : memref<32x128xf32, #tpu.memory_space<hbm>>)
      } else {
      }
      %parallel_loop3A_176 = arith.constant 0 : i32
      %parallel_loop3A_177 = arith.constant 256 : i32
      %parallel_loop3A_178 = arith.constant 1 : i32
      scf.for %parallel_loop3A_187 = %parallel_loop3A_176 to %parallel_loop3A_177 step %parallel_loop3A_178  : i32 {
        %parallel_loop3A_188 = arith.constant 16 : i32
        %parallel_loop3A_189 = arith.muli %parallel_loop3A_187, %parallel_loop3A_188 : i32
        %parallel_loop3A_190 = arith.index_cast %parallel_loop3A_189 : i32 to index
        %parallel_loop3A_191 = tpu.vector_load %arg7[%parallel_loop3A_190] {strides = array<i32>} : memref<4096xi32, #tpu.memory_space<vmem>>, vector<16xi32>,
        %parallel_loop3A_192 = tpu.vector_load_idx %arg5[%parallel_loop3A_191] : memref<100000xf32, #tpu.memory_space<vmem>>[vector<16xi32>], vector<16xf32>,
        %parallel_loop3A_193 = arith.constant 8 : i32
        %parallel_loop3A_194 = arith.divsi %parallel_loop3A_187, %parallel_loop3A_193 : i32
        %parallel_loop3A_195 = arith.constant 0 : i32
        %parallel_loop3A_196 = arith.cmpi sgt, %parallel_loop3A_187, %parallel_loop3A_195 : i32
        %parallel_loop3A_197 = arith.extui %parallel_loop3A_196 : i1 to i32
        %parallel_loop3A_198 = arith.constant 0 : i32
        %parallel_loop3A_199 = arith.cmpi slt, %parallel_loop3A_187, %parallel_loop3A_198 : i32
        %parallel_loop3A_200 = arith.extui %parallel_loop3A_199 : i1 to i32
        %parallel_loop3A_201 = arith.subi %parallel_loop3A_197, %parallel_loop3A_200 : i32
        %parallel_loop3A_202 = arith.constant 0 : i32
        %parallel_loop3A_203 = arith.cmpi sgt, %parallel_loop3A_193, %parallel_loop3A_202 : i32
        %parallel_loop3A_204 = arith.extui %parallel_loop3A_203 : i1 to i32
        %parallel_loop3A_205 = arith.constant 0 : i32
        %parallel_loop3A_206 = arith.cmpi slt, %parallel_loop3A_193, %parallel_loop3A_205 : i32
        %parallel_loop3A_207 = arith.extui %parallel_loop3A_206 : i1 to i32
        %parallel_loop3A_208 = arith.subi %parallel_loop3A_204, %parallel_loop3A_207 : i32
        %parallel_loop3A_209 = arith.cmpi ne, %parallel_loop3A_201, %parallel_loop3A_208 : i32
        %parallel_loop3A_210 = arith.remsi %parallel_loop3A_187, %parallel_loop3A_193 : i32
        %parallel_loop3A_211 = arith.constant 0 : i32
        %parallel_loop3A_212 = arith.cmpi ne, %parallel_loop3A_210, %parallel_loop3A_211 : i32
        %parallel_loop3A_213 = arith.andi %parallel_loop3A_209, %parallel_loop3A_212 : i1
        %parallel_loop3A_214 = arith.constant 1 : i32
        %parallel_loop3A_215 = arith.subi %parallel_loop3A_194, %parallel_loop3A_214 : i32
        %parallel_loop3A_216 = arith.select %parallel_loop3A_213, %parallel_loop3A_215, %parallel_loop3A_194 : i32
        %parallel_loop3A_217 = arith.constant 8 : i32
        %parallel_loop3A_218 = arith.constant 0 : i32
        %parallel_loop3A_219 = arith.cmpi eq, %parallel_loop3A_217, %parallel_loop3A_218 : i32
        %parallel_loop3A_220 = arith.constant 1 : i32
        %parallel_loop3A_221 = arith.select %parallel_loop3A_219, %parallel_loop3A_220, %parallel_loop3A_217 : i32
        %parallel_loop3A_222 = arith.remsi %parallel_loop3A_187, %parallel_loop3A_221 : i32
        %parallel_loop3A_223 = arith.constant 0 : i32
        %parallel_loop3A_224 = arith.cmpi ne, %parallel_loop3A_222, %parallel_loop3A_223 : i32
        %parallel_loop3A_225 = arith.constant 0 : i32
        %parallel_loop3A_226 = arith.cmpi slt, %parallel_loop3A_222, %parallel_loop3A_225 : i32
        %parallel_loop3A_227 = arith.constant 0 : i32
        %parallel_loop3A_228 = arith.cmpi slt, %parallel_loop3A_221, %parallel_loop3A_227 : i32
        %parallel_loop3A_229 = arith.xori %parallel_loop3A_226, %parallel_loop3A_228 : i1
        %parallel_loop3A_230 = arith.andi %parallel_loop3A_229, %parallel_loop3A_224 : i1
        %parallel_loop3A_231 = arith.addi %parallel_loop3A_222, %parallel_loop3A_221 : i32
        %parallel_loop3A_232 = arith.select %parallel_loop3A_230, %parallel_loop3A_231, %parallel_loop3A_222 : i32
        %parallel_loop3A_233 = arith.constant 16 : i32
        %parallel_loop3A_234 = arith.muli %parallel_loop3A_232, %parallel_loop3A_233 : i32
        %parallel_loop3A_235 = arith.index_cast %parallel_loop3A_216 : i32 to index
        %parallel_loop3A_236 = arith.index_cast %parallel_loop3A_234 : i32 to index
        %parallel_loop3A_237 = tpu.vector_load %arg9[%parallel_loop3A_235, %parallel_loop3A_236] {strides = array<i32>} : memref<32x128xf32, #tpu.memory_space<vmem>>, vector<16xf32>,
        tpu.vector_store %arg9[%parallel_loop3A_235, %parallel_loop3A_236], %parallel_loop3A_192 {strides = array<i32>} : memref<32x128xf32, #tpu.memory_space<vmem>>, vector<16xf32>,
      } {sc.loop_unroll_factor = 8 : i64, sc.parallel_access}
      %dma_start3A_179 = arith.constant 0 : i32
      %dma_start3A_180 = arith.constant 0 : i32
      %dma_start3A_181 = tpu.memref_slice %arg4[%add3A_139, %select_n3A_88, %dma_start3A_179, %select_n3A_104, %dma_start3A_180] : memref<50x8x32x8x128xf32, #tpu.memory_space<hbm>> -> memref<1x1x32x1x128xf32, #tpu.memory_space<hbm>>
      %dma_start3A_182 = tpu.memref_squeeze %dma_start3A_181 : memref<1x1x32x1x128xf32, #tpu.memory_space<hbm>> -> memref<32x128xf32, #tpu.memory_space<hbm>>
      %dma_start3A_183 = arith.constant 0 : i32
      %dma_start3A_184 = arith.constant 0 : i32
      %dma_start3A_185 = tpu.memref_slice %arg4[%add3A_139, %select_n3A_88, %dma_start3A_183, %select_n3A_104, %dma_start3A_184] : memref<50x8x32x8x128xf32, #tpu.memory_space<hbm>> -> memref<1x1x32x1x128xf32, #tpu.memory_space<hbm>>
      %dma_start3A_186 = tpu.memref_squeeze %dma_start3A_185 : memref<1x1x32x1x128xf32, #tpu.memory_space<hbm>> -> memref<32x128xf32, #tpu.memory_space<hbm>>
      tpu.enqueue_dma source(%arg9 : memref<32x128xf32, #tpu.memory_space<vmem>>) target(%dma_start3A_186 : memref<32x128xf32, #tpu.memory_space<hbm>>) target_semaphore(%arg14 : memref<!tpu.dma_semaphore, #tpu.memory_space<semaphore_mem>>)
    }
    %scan3A_114 = arith.constant 25 : i32
    %dma_wait3A_115 = arith.constant 48 : i32
    %dma_wait3A_116 = arith.constant 0 : i32
    %dma_wait3A_117 = arith.constant 0 : i32
    %dma_wait3A_118 = tpu.memref_slice %arg4[%dma_wait3A_115, %select_n3A_88, %dma_wait3A_116, %select_n3A_104, %dma_wait3A_117] : memref<50x8x32x8x128xf32, #tpu.memory_space<hbm>> -> memref<1x1x32x1x128xf32, #tpu.memory_space<hbm>>
    %dma_wait3A_119 = tpu.memref_squeeze %dma_wait3A_118 : memref<1x1x32x1x128xf32, #tpu.memory_space<hbm>> -> memref<32x128xf32, #tpu.memory_space<hbm>>
    %dma_wait3A_120 = arith.constant 0 : i32
    %dma_wait3A_121 = arith.constant 0 : i32
    %dma_wait3A_122 = tpu.memref_slice %arg4[%dma_wait3A_115, %select_n3A_88, %dma_wait3A_120, %select_n3A_104, %dma_wait3A_121] : memref<50x8x32x8x128xf32, #tpu.memory_space<hbm>> -> memref<1x1x32x1x128xf32, #tpu.memory_space<hbm>>
    %dma_wait3A_123 = tpu.memref_squeeze %dma_wait3A_122 : memref<1x1x32x1x128xf32, #tpu.memory_space<hbm>> -> memref<32x128xf32, #tpu.memory_space<hbm>>
    tpu.wait_dma2 semaphore(%arg13 : memref<!tpu.dma_semaphore, #tpu.memory_space<semaphore_mem>>) src(%arg8 : memref<32x128xf32, #tpu.memory_space<vmem>>) dst(%dma_wait3A_123 : memref<32x128xf32, #tpu.memory_space<hbm>>)
    %dma_wait3A_124 = arith.constant 49 : i32
    %dma_wait3A_125 = arith.constant 0 : i32
    %dma_wait3A_126 = arith.constant 0 : i32
    %dma_wait3A_127 = tpu.memref_slice %arg4[%dma_wait3A_124, %select_n3A_88, %dma_wait3A_125, %select_n3A_104, %dma_wait3A_126] : memref<50x8x32x8x128xf32, #tpu.memory_space<hbm>> -> memref<1x1x32x1x128xf32, #tpu.memory_space<hbm>>
    %dma_wait3A_128 = tpu.memref_squeeze %dma_wait3A_127 : memref<1x1x32x1x128xf32, #tpu.memory_space<hbm>> -> memref<32x128xf32, #tpu.memory_space<hbm>>
    %dma_wait3A_129 = arith.constant 0 : i32
    %dma_wait3A_130 = arith.constant 0 : i32
    %dma_wait3A_131 = tpu.memref_slice %arg4[%dma_wait3A_124, %select_n3A_88, %dma_wait3A_129, %select_n3A_104, %dma_wait3A_130] : memref<50x8x32x8x128xf32, #tpu.memory_space<hbm>> -> memref<1x1x32x1x128xf32, #tpu.memory_space<hbm>>
    %dma_wait3A_132 = tpu.memref_squeeze %dma_wait3A_131 : memref<1x1x32x1x128xf32, #tpu.memory_space<hbm>> -> memref<32x128xf32, #tpu.memory_space<hbm>>
    tpu.wait_dma2 semaphore(%arg14 : memref<!tpu.dma_semaphore, #tpu.memory_space<semaphore_mem>>) src(%arg9 : memref<32x128xf32, #tpu.memory_space<vmem>>) dst(%dma_wait3A_132 : memref<32x128xf32, #tpu.memory_space<hbm>>)
    return
  }
}

</mosaic_0001>

<sc_bundles>
// kernel: kernel.4.cloned.1.call-start
scs
__scs_entry_jumppad:
0x0: {  	(pc) =	sbr.rel $0x88, $3  }
0x1: {  	(tag) =	ssettag $0x0;
	lr =	simm.s32 $0x1  }
0x2: {  	[smem:$0x3F9D] =	sst lr;
	_ =	strace $0xD0000000  }
0x3: {  	_ = 	snop  }
0x4: {  	_ = 	snop  }
0x5: {  	_ = 	snop  }
0x6: {  	_ = 	snop  }
0x7: {  	_ = 	snop  }
__scs_overlays_trampoline_lowered:
0x8: {  	[smem:$0x3FAC] =	sst s0  }
0x9: {  	[smem:$0x3FAD] =	sst s1  }
0xa: {  	[smem:$0x3FAE] =	sst s2  }
0xb: {  	[smem:$0x3FAF] =	sst s3  }
0xc: {  	[smem:$0x3FB0] =	sst s4  }
0xd: {  	[smem:$0x3FB1] =	sst s5  }
0xe: {  	[smem:$0x3FB2] =	sst s6  }
0xf: {  	[smem:$0x3FB3] =	sst s7  }
0x10: {  	[smem:$0x3FB4] =	sst s8  }
0x11: {  	[smem:$0x3FB5] =	sst s9;
	s0 =	simm.s32 @!p0 $0x0  }
0x12: {  	s1 =	sld [smem:$0x3F9B];
	s0 =	simm.s32 @p0 $0x1  }
0x13: {  	[smem:$0x3FB6] =	sst s0;
	s0 =	simm.s32 @!p1 $0x0  }
0x14: {  	s2 =	sld [smem:$0x3F9A];
	s0 =	simm.s32 @p1 $0x1  }
0x15: {  	[smem:$0x3FB7] =	sst s0;
	s0 =	simm.s32 @!p2 $0x0  }
0x16: {  	s3 =	sld [smem:$0x3FDB];
	s0 =	simm.s32 @p2 $0x1  }
0x17: {  	s4 =	simm.s32 $0x1BF5;
	[smem:$0x3FB9] =	sst s0  }
0x18: {  	s0 =	sld [smem:$0x3F9C];
	_ =	swait.ge [sflag:s4], $0x0  }
0x19: {  	s7 =	sld [smem:$0x3F9D]  }
0x1a: {  	s8 =	sadd.s32 $0xFFFFE003, lr  }
0x1b: {  	s9 =	sadd.s32 $0xFFFFFEF7, lr;
	s5 =	simm.s32 $0xFFFFFFFF;
	p2 =	slt.u32 s8, $0xFFFFF086  }
0x1c: {  	p1 =	slt.u32 s9, $0xF7A;
	s5 =	simm.s32 @!p2 $0x0  }
0x1d: {  	s5 =	simm.s32 @p1 $0x1;
	p0 =	seq.s32 s7, s2  }
0x1e: {  	s7 =	smul.u32 @!p0 $0xF7A, s2;
	p2 =	seq.s32 @!p0 s5, $0x0  }
0x1f: {  	s9 =	smul.u32 $0xF7A, s1;
	s8 =	simm.s32 @!p0 $0x1BF5;
	p2 =	por !p2, p0  }
0x20: {  	[sflag:s8] =	ssyncset.s32 @!p0 $0xFFFFF086;
	s6 =	sadd.s32 @!p0 s3, s7;
	s7 =	simm.s32 @!p0 $0x108  }
0x21: {  	s3 =	sadd.s32 s3, s9;
	s6 =	sadd.s32 @!p0 $0x88, s6;
	s7 =	simm.s32 @p2 $0x1082  }
0x22: {  	[simem:s7], [sflag:s8] =	dma.local @!p0 [hbm:s6], $0xF7A  }
0x23: {  	s9 =	sor.u32 $0xD0000000, s2;
	s6 =	simm.s32 $0x108;
	_ =	swait.ge @!p0 [sflag:s8], $0x0  }
0x24: {  	s3 =	sadd.s32 $0x88, s3;
	s6 =	simm.s32 @!p1 $0x1082;
	[sflag:s4] =	ssyncset.s32 $0xFFFFF086  }
0x25: {  	[simem:s6], [sflag:s4] =	dma.local [hbm:s3], $0xF7A  }
0x26: {  	[smem:$0x3F9D] =	sst s1;
	(tag) =	ssettag s2;
	_ =	strace s9  }
0x27: {  	s1 =	sld [smem:$0x3FAD]  }
0x28: {  	s2 =	sld [smem:$0x3FAE]  }
0x29: {  	s4 =	sld [smem:$0x3FB0]  }
0x2a: {  	p0 =	seq.s32 s5, $0x0;
	s5 =	sld [smem:$0x3FB1]  }
0x2b: {  	s6 =	sld [smem:$0x3FB2]  }
0x2c: {  	s7 =	sld [smem:$0x3FB3]  }
0x2d: {  	s3 =	simm.s32 $0x108;
	s8 =	sld [smem:$0x3FB4]  }
0x2e: {  	s3 =	simm.s32 @!p0 $0x1082;
	s9 =	sld [smem:$0x3FB5]  }
0x2f: {  	lr =	sadd.s32 s0, s3;
	s0 =	sld [smem:$0x3FAC]  }
0x30: {  	s3 =	sld [smem:$0x3FAF]  }
0x31: {  	[smem:$0x3FB8] =	sst s10  }
0x32: {  	s10 =	sld [smem:$0x3FB6];
	_ =	sdelay $0x3  }
0x33: {  	p0 =	seq.s32 s10, $0x1;
	s10 =	sld [smem:$0x3FB8];
	_ =	sdelay $0x3  }
0x34: {  	[smem:$0x3FB8] =	sst s10  }
0x35: {  	s10 =	sld [smem:$0x3FB7];
	_ =	sdelay $0x3  }
0x36: {  	p1 =	seq.s32 s10, $0x1;
	s10 =	sld [smem:$0x3FB8];
	_ =	sdelay $0x3  }
0x37: {  	[smem:$0x3FB8] =	sst s10  }
0x38: {  	s10 =	sld [smem:$0x3FB9]  }
0x39: {  	_ = 	snop;
	(pc) =	sbr.ind lr, $3  }
0x3a: {  	_ = 	snop  }
0x3b: {  	_ = 	snop  }
0x3c: {  	p2 =	seq.s32 s10, $0x1;
	s10 =	sld [smem:$0x3FB8]  }
0x3d: {  	_ =	shalt  }
0x3e: {  	_ =	shalt  }
0x3f: {  	_ =	shalt  }
0x40: {  	_ =	shalt  }
0x41: {  	_ =	shalt  }
0x42: {  	_ =	shalt  }
0x43: {  	_ =	shalt  }
0x44: {  	_ =	shalt  }
0x45: {  	_ =	shalt  }
0x46: {  	_ =	shalt  }
0x47: {  	_ =	shalt  }
0x48: {  	_ =	shalt  }
0x49: {  	_ =	shalt  }
0x4a: {  	_ =	shalt  }
0x4b: {  	_ =	shalt  }
0x4c: {  	_ =	shalt  }
0x4d: {  	_ =	shalt  }
0x4e: {  	_ =	shalt  }
0x4f: {  	_ =	shalt  }
0x50: {  	_ =	shalt  }
0x51: {  	_ =	shalt  }
0x52: {  	_ =	shalt  }
0x53: {  	_ =	shalt  }
0x54: {  	_ =	shalt  }
0x55: {  	_ =	shalt  }
0x56: {  	_ =	shalt  }
0x57: {  	_ =	shalt  }
0x58: {  	_ =	shalt  }
0x59: {  	_ =	shalt  }
0x5a: {  	_ =	shalt  }
0x5b: {  	_ =	shalt  }
0x5c: {  	_ =	shalt  }
0x5d: {  	_ =	shalt  }
0x5e: {  	_ =	shalt  }
0x5f: {  	_ =	shalt  }
0x60: {  	_ =	shalt  }
0x61: {  	_ =	shalt  }
0x62: {  	_ =	shalt  }
0x63: {  	_ =	shalt  }
0x64: {  	_ =	shalt  }
0x65: {  	_ =	shalt  }
0x66: {  	_ =	shalt  }
0x67: {  	_ =	shalt  }
0x68: {  	_ =	shalt  }
0x69: {  	_ =	shalt  }
0x6a: {  	_ =	shalt  }
0x6b: {  	_ =	shalt  }
0x6c: {  	_ =	shalt  }
0x6d: {  	_ =	shalt  }
0x6e: {  	_ =	shalt  }
0x6f: {  	_ =	shalt  }
0x70: {  	_ =	shalt  }
0x71: {  	_ =	shalt  }
0x72: {  	_ =	shalt  }
0x73: {  	_ =	shalt  }
0x74: {  	_ =	shalt  }
0x75: {  	_ =	shalt  }
0x76: {  	_ =	shalt  }
0x77: {  	_ =	shalt  }
0x78: {  	_ =	shalt  }
0x79: {  	_ =	shalt  }
0x7a: {  	_ =	shalt  }
0x7b: {  	_ =	shalt  }
0x7c: {  	_ =	shalt  }
0x7d: {  	_ =	shalt  }
0x7e: {  	_ =	shalt  }
0x7f: {  	_ =	shalt  }
0x80: {  	_ =	shalt  }
0x81: {  	_ =	shalt  }
0x82: {  	_ =	shalt  }
0x83: {  	_ =	shalt  }
0x84: {  	_ =	shalt  }
0x85: {  	_ =	shalt  }
0x86: {  	_ =	shalt  }
0x87: {  	_ =	shalt  }
.Lfunc_end0:
.L_simem_size_0:
called_computation_lowered:
.L_overlay_start_0:
0x88: {  	s2 =	sld [smem:$0x3FD9]  }
0x89: {  	s3 =	sld [smem:$0x3FFE];
	_ =	sdelay $0x1  }
0x8a: {  	s1 =	srdreg.scid  }
0x8b: {  	s0 =	sand.u32 $0x1, s1  }
0x8c: {  	s15 =	sshll.u32 s0, $0xA;
	s2 =	sadd.s32 s3, s2  }
0x8d: {  	s2 =	sadd.s32 s2, s15  }
0x8e: {  	[smem:$0x3FC4] =	sst s2  }
0x8f: {  	_ = 	snop  }
0x90: {  	s2 =	sld [smem:$0x3FD0];
	_ =	sdelay $0x2  }
0x91: {  	s16 =	simm.s32 $0xB;
	s4 =	simm.s32 $0x10  }
0x92: {  	[smem:s4], [sflag:s16] =	dma.local [hbm:s2], $0x1  }
0x93: {  	_ =	swait.eq [sflag:s16], $0x1  }
0x94: {  	[sflag:s16] =	ssyncset.done $0x0  }
0x95: {  	[sflag:s16] =	ssyncadd.s32 $0xFFFFFFFF  }
0x96: {  	s17 =	sld [smem:$0x10];
	(tm) =	ssettm $0x1  }
0x97: {  	s18 =	sld [smem:$0x3FFB];
	_ =	sdelay $0x3  }
0x98: {  	_ =	strace s18  }
0x99: {  	s2 =	sld [smem:$0x3FFC];
	_ =	sdelay $0x3  }
0x9a: {  	_ =	strace s2  }
0x9b: {  	s2 =	sld [smem:$0x3FFD];
	_ =	sdelay $0x3  }
0x9c: {  	_ =	strace s2  }
0x9d: {  	_ =	strace $0x8FFFFFFF  }
0x9e: {  	s19 =	sld [smem:$0x3FDB];
	_ =	sdelay $0x1  }
0x9f: {  	s20 =	simm.s32 $_scs_section_size  }
0xa0: {  	s5 =	simm.s32 $_size__tile_overlayer_lowered;
	s6 =	simm.s32 $_tile_overlayer_lowered  }
0xa1: {  	s7 =	simm.s32 $0x1BFF;
	s21 =	sshll.u32 s6, $0x1;
	s4 =	sadd.s32 s20, s19  }
0xa2: {  	s22 =	simm.s32 $0x0;
	s5 =	sshll.u32 s5, $0x1;
	s6 =	sadd.s32 s21, s4  }
0xa3: {  	[timem:s22], [sflag:s7] =	dma.local [hbm:s6], s5  }
0xa4: {  	_ =	swait.ge [sflag:s7], s5  }
0xa5: {  	s5 =	ssub.s32 $0x0, s5;
	[sflag:s7] =	ssyncset.done $0x0  }
0xa6: {  	[sflag:s7] =	ssyncadd.s32 s5;
	_ =	sdelay $0x1  }
0xa7: {  	s23 =	simm.s32 $0x1B8B  }
0xa8: {  	_ =	swait.ge [sflag:s23], $0x1  }
0xa9: {  	[sflag:s23] =	ssyncset.done $0x0  }
0xaa: {  	[sflag:s23] =	ssyncadd.s32 $0xFFFFFFFF  }
0xab: {  	s5 =	sld [smem:$0x0]  }
0xac: {  	s6 =	sand.u32 $0xFFFFFFFE, s1  }
0xad: {  	p0 =	sne.s32 s1, s6  }
0xae: {  	s6 =	sshll.u32 @p0 s6, $0xE  }
0xaf: {  	s6 =	sadd.s32 @p0 $0x11B8D, s6;
	s7 =	sshll.u32 @p0 s5, $0x11  }
0xb0: {  	s6 =	sor.u32 @p0 s7, s6  }
0xb1: {  	[sflag:s6] =	ssyncadd.remote.s32 @p0 $0x1;
	_ =	sdelay $0x1  }
0xb2: {  	s6 =	simm.s32 @p0 $0x1B8D  }
0xb3: {  	_ =	swait.eq @p0 [sflag:s6], $0x1  }
0xb4: {  	[sflag:s6] =	ssyncadd.s32 @p0 $0xFFFFFFFF  }
0xb5: {  	s7 =	sshll.u32 @!p0 s1, $0xE  }
0xb6: {  	s7 =	sor.u32 @!p0 $0x4000, s7;
	s6 =	simm.s32 @!p0 $0x1B8D  }
0xb7: {  	s5 =	sshll.u32 @!p0 s5, $0x11;
	s7 =	sadd.s32 @!p0 $0x11B8D, s7;
	_ =	swait.eq @!p0 [sflag:s6], $0x1  }
0xb8: {  	s5 =	sor.u32 @!p0 s5, s7;
	[sflag:s6] =	ssyncadd.s32 @!p0 $0xFFFFFFFF  }
0xb9: {  	s25 =	simm.s32 $0x1B8E;
	s24 =	sld [smem:$0x3FFE];
	[sflag:s5] =	ssyncadd.remote.s32 @!p0 $0x1  }
0xba: {  	s26 =	simm.s32 $execute0_lowered;
	[smem:$0x3FD2] =	sst s25  }
0xbb: {  	s6 =	sshll.u32 s26, $0x1;
	_ =	strace $0x80000049;
	[dreg:$0x1] =	wrdreg $0xFFFFFFFF  }
0xbc: {  	s28 =	simm.s32 $_size_execute0_lowered;
	s4 =	sadd.s32 s4, s6;
	[dreg:$0x0] =	wrdreg $0x0  }
0xbd: {  	s6 =	sshll.u32 s28, $0x1;
	[dreg:$0x2] =	wrdreg s4  }
0xbe: {  	[dreg:$0x3] =	wrdreg s6  }
0xbf: {  	[dreg:$0x4] =	wrdreg $0xC0  }
0xc0: {  	_ =	task [dreg:s22], $0x5FFFF  }
0xc1: {  	[dreg:$0x1] =	wrdreg $0xFFFFFFFF  }
0xc2: {  	[dreg:$0x0] =	wrdreg $0x60  }
0xc3: {  	[dreg:$0x2] =	wrdreg s24  }
0xc4: {  	[dreg:$0x3] =	wrdreg s17  }
0xc5: {  	[dreg:$0x4] =	wrdreg $0x1C6A00  }
0xc6: {  	[dreg:$0x5] =	wrdreg $0x9  }
0xc7: {  	_ =	task.clear_ibuf [dreg:s22], $0x6FFFF;
	_ =	strace $0x90000049  }
0xc8: {  	s29 =	simm.s32 $0x9;
	_ =	strace $0x8000004B  }
0xc9: {  	_ =	swait.ge [sflag:s29], $0x1  }
0xca: {  	[sflag:s29] =	ssyncadd.s32 $0xFFFFFFFF  }
0xcb: {  	_ =	strace $0x9000004B  }
0xcc: {  	_ =	sfence  }
0xcd: {  	s30 =	sld [smem:$0x0];
	_ =	sdelay $0x2  }
0xce: {  	s31 =	sshll.u32 s1, $0xD;
	s1 =	sshrl.u32 s1, $0x2  }
0xcf: {  	s4 =	sand.u32 $0x4000, s31;
	s1 =	sadd.s32 s1, s30  }
0xd0: {  	s0 =	sor.u32 s4, s0;
	s1 =	sshll.u32 s1, $0x11  }
0xd1: {  	s0 =	sor.u32 s1, s0  }
0xd2: {  	s0 =	sadd.s32 $0x8F2B, s0  }
0xd3: {  	[sflag:s0] =	ssyncadd.remote.s32 $0x1  }
0xd4: {  	_ =	sfence.sel $0xFFFF  }
0xd5: {  	[dreg:$0x0] =	wrdreg $0xFFFFFFFF;
	(pc) =	sbr.abs _section_cstart, $3  }
0xd6: {  	[dreg:$0x1] =	wrdreg $0xFFFFFFFF  }
0xd7: {  	_ =	task.clear_ibuf [dreg:s22], $0x2FFFF;
	_ =	strace $0x9FFFFFFF  }
0xd8: {  	(tm) =	ssettm $0x7FFFFFFF  }
0xd9: {  	_ =	shalt  }
tec
execute0_lowered:
.L_overlay_start_1:
0x0: {  	(tag) =	ssettag $0x1  }
0x1: {  	s5 =	rddreg [dreg:$0x0]  }
0x2: {  	s1 =	rddreg [dreg:$0x1]  }
0x3: {  	s2 =	rddreg [dreg:$0x2]  }
0x4: {  	s0 =	rddreg [dreg:$0x3];
	s3 =	simm.s32 $0x0;
	s4 =	srdreg.scid  }
0x5: {  	s8 =	stileid.u32;
	s14 =	simm.s32 $0x196A0;
	s15 =	simm.s32 $0x80  }
0x6: {  	s16 =	simm.s32 $0x400;
	s17 =	simm.s32 $0x1A6A0;
	s18 =	simm.s32 $0x2  }
0x7: {  	s19 =	simm.s32 $0x1B6A0;
	s20 =	simm.s32 $0x3;
	s21 =	simm.s32 $0x4  }
0x8: {  	s22 =	simm.s32 $0x0;
	[smem:$0x7FF] =	sst s3;
	s6 =	sand.u32 $0x1, s4  }
0x9: {  	s4 =	sadd.s32 $0xCC000, s5;
	s10 =	sshll.u32 s8, $0x2;
	s11 =	sadd.s32 $0xD2400, s5  }
0xa: {  	s31 =	sshll.u32 s8, $0xE;
	s7 =	ssub.s32 $0x2, s6;
	s6 =	sshll.u32 s6, $0x1  }
0xb: {  	p0 =	sne.s32 s8, $0x0;
	s9 =	sshrl.u32 s7, $0x1;
	s30 =	sor.u32 s6, s10  }
0xc: {  	_ =	strace $0x8000004A;
	s7 =	ssub.s32 s7, s9;
	s10 =	sor.u32 $0x1, s30  }
0xd: {  	s6 =	smul.u32 $0x30D4, s30;
	s13 =	sshll.u32 s30, $0x7;
	s12 =	sshll.u32 s10, $0x7  }
0xe: {  	s10 =	smul.u32 $0x30D4, s10;
	s9 =	sor.u32 s13, s31;
	s7 =	smax.u32 s7, $0x1  }
0xf: {  	s13 =	simm.s32 $0x1;
	s5 =	sadd.s32 s11, s6;
	s12 =	sor.u32 s12, s31  }
0x10: {  	s8 =	sand.u32 $0x38300, s9;
	s6 =	sadd.s32 s11, s10;
	s9 =	sand.u32 $0x38380, s12  }
0x11: {  	s10 =	sshrl.u32 @!p0 s2, $0x3;
	s11 =	simm.s32 $0x5;
	s12 =	simm.s32 $0x186A0  }
.LBB2_1:
0x12: {  	s23 =	simm.s32 @!p0 $0x1C05  }
0x13: {  	[spmem:s10], [sflag:s23] =	dma.local @!p0 [hbm:s4], $0x6400  }
0x14: {  	s23 =	simm.s32 @!p0 $0x5  }
0x15: {  	_ =	swait.ge @!p0 [sflag:s23], $0x6400  }
0x16: {  	[sflag:s23] =	ssyncset.done @!p0 $0x0  }
0x17: {  	[sflag:s23] =	ssyncadd.s32 @!p0 $0xFFFF9C00  }
0x18: {  	[bflag:$0x0] =	sbarrier.arrive $0xFFFF  }
0x19: {  	[tilespmem:s3], [sflag:$0x5] =	stream.linear.gather [hbm4b:s5+s3], $0x186A0, $0x38;
	[tilespmem:$0x1F8A0] =	vst v63  }
0x1a: {  	_ =	swait.ge [sflag:s11], $0x186A0  }
0x1b: {  	[sflag:s11] =	ssyncset.done $0x0  }
0x1c: {  	s23 =	simm.s32 $0x0;
	[sflag:s11] =	ssyncadd.s32 $0xFFFE7960  }
0x1d: {  	[tilespmem:s12], [sflag:$0x1] =	stream.linear.gather [spmem:s2], $0x1000, $0x38;
	[tilespmem:$0x1F8A0] =	vst v63  }
.LBB2_2:
0x1e: {  	s24 =	sshllo.u32 s23, $0x1  }
0x1f: {  	_ =	swait.ge [sflag:s13], $0x1000;
	s25 =	sshll.u32 s24, $0xC  }
0x20: {  	[sflag:s13] =	ssyncset.done $0x0;
	s25 =	sand.u32 $0x3FFFF000, s25  }
0x21: {  	p1 =	seq.s32 s23, $0x0;
	[sflag:s13] =	ssyncadd.s32 $0xFFFFF000;
	s25 =	sadd.s32 s25, s2  }
0x22: {  	[tilespmem:s14], [sflag:$0x2] =	stream.linear.gather [spmem:s25], $0x1000, $0x38;
	[tilespmem:$0x1F8A0] =	vst v63  }
0x23: {  	s25 =	simm.s32 @!p1 $0x3  }
0x24: {  	_ =	swait.ge @!p1 [sflag:s25], $0x1000  }
0x25: {  	[sflag:s25] =	ssyncset.done @!p1 $0x0  }
0x26: {  	s31 =	simm.s32 $0x186E0;
	[sflag:s25] =	ssyncadd.s32 @!p1 $0xFFFFF000  }
0x27: {  	v0 =	vld [tilespmem:s31+$0x30]  }
0x28: {  	v1 =	vld [tilespmem:s31+$0xFFFFFFD0]  }
0x29: {  	v2 =	vld [tilespmem:s31+$0xFFFFFFE0]  }
0x2a: {  	v3 =	vld [tilespmem:s31+$0xFFFFFFF0]  }
0x2b: {  	v6 =	vld [tilespmem:s31+$0x0]  }
0x2c: {  	v7 =	vld [tilespmem:s31+$0x10]  }
0x2d: {  	v8 =	vld [tilespmem:s31+$0x20]  }
0x2e: {  	v9 =	vld [tilespmem:s31+$0xFFFFFFC0]  }
0x2f: {  	v10 =	vld.idx.msk [tilespmem:v0+s3+$0x0], $0xffff  }
0x30: {  	v11 =	vld.idx.msk [tilespmem:v1+s3+$0x0], $0xffff  }
0x31: {  	v5 =	vld.idx.msk [tilespmem:v2+s3+$0x0], $0xffff  }
0x32: {  	v4 =	vld.idx.msk [tilespmem:v3+s3+$0x0], $0xffff  }
0x33: {  	v3 =	vld.idx.msk [tilespmem:v6+s3+$0x0], $0xffff  }
0x34: {  	s25 =	simm.s32 $0x1A6E0;
	v1 =	vld.idx.msk [tilespmem:v7+s3+$0x0], $0xffff  }
0x35: {  	v0 =	vld.idx.msk [tilespmem:v8+s3+$0x0], $0xffff;
	[tilespmem:s25+$0x30] =	vst v10  }
0x36: {  	s26 =	simm.s32 $0x0;
	s28 =	simm.s32 $0x18760;
	v2 =	vld.idx.msk [tilespmem:v9+s3+$0x0], $0xffff;
	[tilespmem:s25+$0xFFFFFFD0] =	vst v11  }
.LBB2_3:
0x37: {  	v6 =	vld [tilespmem:s28+$0x30];
	s26 =	sadd.s32 $0x8, s26;
	[tilespmem:s25+$0xFFFFFFE0] =	vst v5  }
0x38: {  	v5 =	vld [tilespmem:s28+$0xFFFFFFD0];
	p1 =	slt.u32 s26, $0xF8;
	[tilespmem:s25+$0xFFFFFFF0] =	vst v4  }
0x39: {  	v4 =	vld [tilespmem:s28+$0xFFFFFFE0];
	[tilespmem:s25+$0x0] =	vst v3  }
0x3a: {  	v3 =	vld [tilespmem:s28+$0xFFFFFFF0];
	[tilespmem:s25+$0x10] =	vst v1  }
0x3b: {  	v1 =	vld [tilespmem:s28+$0x0];
	[tilespmem:s25+$0x20] =	vst v0  }
0x3c: {  	v0 =	vld [tilespmem:s28+$0x10];
	[tilespmem:s25+$0xFFFFFFC0] =	vst v2  }
0x3d: {  	v2 =	vld [tilespmem:s28+$0x20]  }
0x3e: {  	v7 =	vld [tilespmem:s28+$0xFFFFFFC0]  }
0x3f: {  	v6 =	vld.idx.msk [tilespmem:v6+s3+$0x0], $0xffff  }
0x40: {  	v8 =	vld.idx.msk [tilespmem:v5+s3+$0x0], $0xffff  }
0x41: {  	v5 =	vld.idx.msk [tilespmem:v4+s3+$0x0], $0xffff  }
.Ltmp0:
0x42: {  	v4 =	vld.idx.msk [tilespmem:v3+s3+$0x0], $0xffff;
	(pc) =	sbr.rel @p1 .LBB2_3-.Ltmp0, $4  }
0x43: {  	v3 =	vld.idx.msk [tilespmem:v1+s3+$0x0], $0xffff  }
0x44: {  	s25 =	sadd.s32 $0x80, s25;
	v1 =	vld.idx.msk [tilespmem:v0+s3+$0x0], $0xffff  }
0x45: {  	v0 =	vld.idx.msk [tilespmem:v2+s3+$0x0], $0xffff;
	[tilespmem:s25+$0x30] =	vst v6  }
0x46: {  	s28 =	sadd.s32 $0x80, s28;
	v2 =	vld.idx.msk [tilespmem:v7+s3+$0x0], $0xffff;
	[tilespmem:s25+$0xFFFFFFD0] =	vst v8  }
0x47: {  	[tilespmem:s25+$0xFFFFFFE0] =	vst v5  }
0x48: {  	[tilespmem:s25+$0xFFFFFFF0] =	vst v4  }
0x49: {  	s26 =	sshll.u32 s23, $0x13;
	[tilespmem:s25+$0x0] =	vst v3  }
0x4a: {  	s26 =	sor.u32 s8, s26;
	[tilespmem:s25+$0x10] =	vst v1  }
0x4b: {  	p1 =	seq.s32 s23, $0x18;
	s26 =	sshrl.u32 s26, $0x3;
	[tilespmem:s25+$0x20] =	vst v0  }
0x4c: {  	s30 =	sadd.s32 s1, s26;
	[tilespmem:s25+$0xFFFFFFC0] =	vst v2;
	s25 =	sshll.u32 @!p1 s23, $0xD  }
0x4d: {  	[hbm4b:s30+s15] =	stream.strided.scatter [tilespmem:s17], [sflag:$0x3], $0x1000, s16, s15, $0x38;
	[tilespmem:$0x1F8A0] =	vst v63  }
0x4e: {  	s25 =	sand.u32 @!p1 $0x3FFFE000, s25;
	_ =	swait.ge [sflag:s18], $0x1000  }
0x4f: {  	p2 =	seq.s32 @!p1 s23, $0x0;
	s25 =	sadd.s32 @!p1 s25, s2;
	[sflag:s18] =	ssyncset.done $0x0  }
0x50: {  	s26 =	simm.s32 @!p1 $0x186A0;
	s25 =	sadd.s32 @!p1 $0x2000, s25;
	[sflag:s18] =	ssyncadd.s32 $0xFFFFF000  }
0x51: {  	[tilespmem:s26], [sflag:$0x1] =	stream.linear.gather @!p1 [spmem:s25], $0x1000, $0x38;
	[tilespmem:$0x1F8A0] =	vst v63  }
0x52: {  	p1 =	por p1, !p2  }
0x53: {  	_ =	swait.ge @p1 [sflag:s21], $0x1000  }
0x54: {  	[sflag:s21] =	ssyncset.done @p1 $0x0  }
0x55: {  	s31 =	simm.s32 $0x196E0;
	[sflag:s21] =	ssyncadd.s32 @p1 $0xFFFFF000  }
0x56: {  	v0 =	vld [tilespmem:s31+$0x30]  }
0x57: {  	v1 =	vld [tilespmem:s31+$0xFFFFFFD0]  }
0x58: {  	v2 =	vld [tilespmem:s31+$0xFFFFFFE0]  }
0x59: {  	v3 =	vld [tilespmem:s31+$0xFFFFFFF0]  }
0x5a: {  	v6 =	vld [tilespmem:s31+$0x0]  }
0x5b: {  	v7 =	vld [tilespmem:s31+$0x10]  }
0x5c: {  	v8 =	vld [tilespmem:s31+$0x20]  }
0x5d: {  	v9 =	vld [tilespmem:s31+$0xFFFFFFC0]  }
0x5e: {  	v10 =	vld.idx.msk [tilespmem:v0+s3+$0x0], $0xffff  }
0x5f: {  	v11 =	vld.idx.msk [tilespmem:v1+s3+$0x0], $0xffff  }
0x60: {  	v5 =	vld.idx.msk [tilespmem:v2+s3+$0x0], $0xffff  }
0x61: {  	v4 =	vld.idx.msk [tilespmem:v3+s3+$0x0], $0xffff  }
0x62: {  	v3 =	vld.idx.msk [tilespmem:v6+s3+$0x0], $0xffff  }
0x63: {  	s25 =	simm.s32 $0x1B6E0;
	v1 =	vld.idx.msk [tilespmem:v7+s3+$0x0], $0xffff  }
0x64: {  	v0 =	vld.idx.msk [tilespmem:v8+s3+$0x0], $0xffff;
	[tilespmem:s25+$0x30] =	vst v10  }
0x65: {  	s28 =	simm.s32 $0x19760;
	s26 =	simm.s32 $0x0;
	v2 =	vld.idx.msk [tilespmem:v9+s3+$0x0], $0xffff;
	[tilespmem:s25+$0xFFFFFFD0] =	vst v11  }
.LBB2_5:
0x66: {  	v6 =	vld [tilespmem:s28+$0x30];
	s26 =	sadd.s32 $0x8, s26;
	[tilespmem:s25+$0xFFFFFFE0] =	vst v5  }
0x67: {  	v5 =	vld [tilespmem:s28+$0xFFFFFFD0];
	p1 =	slt.u32 s26, $0xF8;
	[tilespmem:s25+$0xFFFFFFF0] =	vst v4  }
0x68: {  	v4 =	vld [tilespmem:s28+$0xFFFFFFE0];
	[tilespmem:s25+$0x0] =	vst v3  }
0x69: {  	v3 =	vld [tilespmem:s28+$0xFFFFFFF0];
	[tilespmem:s25+$0x10] =	vst v1  }
0x6a: {  	v1 =	vld [tilespmem:s28+$0x0];
	[tilespmem:s25+$0x20] =	vst v0  }
0x6b: {  	v0 =	vld [tilespmem:s28+$0x10];
	[tilespmem:s25+$0xFFFFFFC0] =	vst v2  }
0x6c: {  	v2 =	vld [tilespmem:s28+$0x20]  }
0x6d: {  	v7 =	vld [tilespmem:s28+$0xFFFFFFC0]  }
0x6e: {  	v6 =	vld.idx.msk [tilespmem:v6+s3+$0x0], $0xffff  }
0x6f: {  	v8 =	vld.idx.msk [tilespmem:v5+s3+$0x0], $0xffff  }
0x70: {  	v5 =	vld.idx.msk [tilespmem:v4+s3+$0x0], $0xffff  }
.Ltmp1:
0x71: {  	v4 =	vld.idx.msk [tilespmem:v3+s3+$0x0], $0xffff;
	(pc) =	sbr.rel @p1 .LBB2_5-.Ltmp1, $4  }
0x72: {  	v3 =	vld.idx.msk [tilespmem:v1+s3+$0x0], $0xffff  }
0x73: {  	s25 =	sadd.s32 $0x80, s25;
	v1 =	vld.idx.msk [tilespmem:v0+s3+$0x0], $0xffff  }
0x74: {  	v0 =	vld.idx.msk [tilespmem:v2+s3+$0x0], $0xffff;
	[tilespmem:s25+$0x30] =	vst v6  }
0x75: {  	s28 =	sadd.s32 $0x80, s28;
	v2 =	vld.idx.msk [tilespmem:v7+s3+$0x0], $0xffff;
	[tilespmem:s25+$0xFFFFFFD0] =	vst v8  }
0x76: {  	[tilespmem:s25+$0xFFFFFFE0] =	vst v5;
	s23 =	sadd.s32 $0x1, s23  }
0x77: {  	[tilespmem:s25+$0xFFFFFFF0] =	vst v4;
	p1 =	sne.s32 s23, $0x19  }
.Ltmp2:
0x78: {  	s24 =	sshll.u32 s24, $0x12;
	[tilespmem:s25+$0x0] =	vst v3;
	(pc) =	sbr.rel @p1 .LBB2_2-.Ltmp2, $4  }
0x79: {  	s24 =	sor.u32 s8, s24;
	[tilespmem:s25+$0x10] =	vst v1  }
0x7a: {  	s24 =	sshrl.u32 s24, $0x3;
	[tilespmem:s25+$0x20] =	vst v0  }
0x7b: {  	s24 =	sadd.s32 s1, s24;
	[tilespmem:s25+$0xFFFFFFC0] =	vst v2  }
0x7c: {  	[hbm4b:s24+s15] =	stream.strided.scatter [tilespmem:s19], [sflag:$0x4], $0x1000, s16, s15, $0x38;
	[tilespmem:$0x1F8A0] =	vst v63  }
0x7d: {  	_ =	swait.ge [sflag:s20], $0x1000  }
0x7e: {  	[sflag:s20] =	ssyncset.done $0x0  }
0x7f: {  	[sflag:s20] =	ssyncadd.s32 $0xFFFFF000  }
0x80: {  	_ =	swait.ge [sflag:s21], $0x1000  }
0x81: {  	[sflag:s21] =	ssyncset.done $0x0  }
0x82: {  	s23 =	simm.s32 $0x0;
	[sflag:s21] =	ssyncadd.s32 $0xFFFFF000  }
0x83: {  	[tilespmem:s23], [sflag:$0x5] =	stream.linear.gather [hbm4b:s6+s23], $0x186A0, $0x38;
	[tilespmem:$0x1F8A0] =	vst v63  }
0x84: {  	_ =	swait.ge [sflag:s11], $0x186A0  }
0x85: {  	[sflag:s11] =	ssyncset.done $0x0  }
0x86: {  	[sflag:s11] =	ssyncadd.s32 $0xFFFE7960  }
0x87: {  	[tilespmem:s12], [sflag:$0x1] =	stream.linear.gather [spmem:s2], $0x1000, $0x38;
	[tilespmem:$0x1F8A0] =	vst v63  }
.LBB2_8:
0x88: {  	s24 =	sshllo.u32 s23, $0x1  }
0x89: {  	_ =	swait.ge [sflag:s13], $0x1000;
	s25 =	sshll.u32 s24, $0xC  }
0x8a: {  	[sflag:s13] =	ssyncset.done $0x0;
	s25 =	sand.u32 $0x3FFFF000, s25  }
0x8b: {  	p1 =	seq.s32 s23, $0x0;
	[sflag:s13] =	ssyncadd.s32 $0xFFFFF000;
	s25 =	sadd.s32 s25, s2  }
0x8c: {  	[tilespmem:s14], [sflag:$0x2] =	stream.linear.gather [spmem:s25], $0x1000, $0x38;
	[tilespmem:$0x1F8A0] =	vst v63  }
0x8d: {  	s25 =	simm.s32 @!p1 $0x3  }
0x8e: {  	_ =	swait.ge @!p1 [sflag:s25], $0x1000  }
0x8f: {  	[sflag:s25] =	ssyncset.done @!p1 $0x0  }
0x90: {  	s31 =	simm.s32 $0x186E0;
	[sflag:s25] =	ssyncadd.s32 @!p1 $0xFFFFF000  }
0x91: {  	v0 =	vld [tilespmem:s31+$0x30]  }
0x92: {  	v1 =	vld [tilespmem:s31+$0xFFFFFFD0]  }
0x93: {  	v2 =	vld [tilespmem:s31+$0xFFFFFFE0]  }
0x94: {  	v3 =	vld [tilespmem:s31+$0xFFFFFFF0]  }
0x95: {  	v6 =	vld [tilespmem:s31+$0x0]  }
0x96: {  	v7 =	vld [tilespmem:s31+$0x10]  }
0x97: {  	v8 =	vld [tilespmem:s31+$0x20]  }
0x98: {  	v9 =	vld [tilespmem:s31+$0xFFFFFFC0]  }
0x99: {  	v10 =	vld.idx.msk [tilespmem:v0+s3+$0x0], $0xffff  }
0x9a: {  	v11 =	vld.idx.msk [tilespmem:v1+s3+$0x0], $0xffff  }
0x9b: {  	v5 =	vld.idx.msk [tilespmem:v2+s3+$0x0], $0xffff  }
0x9c: {  	v4 =	vld.idx.msk [tilespmem:v3+s3+$0x0], $0xffff  }
0x9d: {  	v3 =	vld.idx.msk [tilespmem:v6+s3+$0x0], $0xffff  }
0x9e: {  	s25 =	simm.s32 $0x1A6E0;
	v1 =	vld.idx.msk [tilespmem:v7+s3+$0x0], $0xffff  }
0x9f: {  	v0 =	vld.idx.msk [tilespmem:v8+s3+$0x0], $0xffff;
	[tilespmem:s25+$0x30] =	vst v10  }
0xa0: {  	s26 =	simm.s32 $0x0;
	s28 =	simm.s32 $0x18760;
	v2 =	vld.idx.msk [tilespmem:v9+s3+$0x0], $0xffff;
	[tilespmem:s25+$0xFFFFFFD0] =	vst v11  }
.LBB2_9:
0xa1: {  	v6 =	vld [tilespmem:s28+$0x30];
	s26 =	sadd.s32 $0x8, s26;
	[tilespmem:s25+$0xFFFFFFE0] =	vst v5  }
0xa2: {  	v5 =	vld [tilespmem:s28+$0xFFFFFFD0];
	p1 =	slt.u32 s26, $0xF8;
	[tilespmem:s25+$0xFFFFFFF0] =	vst v4  }
0xa3: {  	v4 =	vld [tilespmem:s28+$0xFFFFFFE0];
	[tilespmem:s25+$0x0] =	vst v3  }
0xa4: {  	v3 =	vld [tilespmem:s28+$0xFFFFFFF0];
	[tilespmem:s25+$0x10] =	vst v1  }
0xa5: {  	v1 =	vld [tilespmem:s28+$0x0];
	[tilespmem:s25+$0x20] =	vst v0  }
0xa6: {  	v0 =	vld [tilespmem:s28+$0x10];
	[tilespmem:s25+$0xFFFFFFC0] =	vst v2  }
0xa7: {  	v2 =	vld [tilespmem:s28+$0x20]  }
0xa8: {  	v7 =	vld [tilespmem:s28+$0xFFFFFFC0]  }
0xa9: {  	v6 =	vld.idx.msk [tilespmem:v6+s3+$0x0], $0xffff  }
0xaa: {  	v8 =	vld.idx.msk [tilespmem:v5+s3+$0x0], $0xffff  }
0xab: {  	v5 =	vld.idx.msk [tilespmem:v4+s3+$0x0], $0xffff  }
.Ltmp3:
0xac: {  	v4 =	vld.idx.msk [tilespmem:v3+s3+$0x0], $0xffff;
	(pc) =	sbr.rel @p1 .LBB2_9-.Ltmp3, $4  }
0xad: {  	v3 =	vld.idx.msk [tilespmem:v1+s3+$0x0], $0xffff  }
0xae: {  	s25 =	sadd.s32 $0x80, s25;
	v1 =	vld.idx.msk [tilespmem:v0+s3+$0x0], $0xffff  }
0xaf: {  	v0 =	vld.idx.msk [tilespmem:v2+s3+$0x0], $0xffff;
	[tilespmem:s25+$0x30] =	vst v6  }
0xb0: {  	s28 =	sadd.s32 $0x80, s28;
	v2 =	vld.idx.msk [tilespmem:v7+s3+$0x0], $0xffff;
	[tilespmem:s25+$0xFFFFFFD0] =	vst v8  }
0xb1: {  	[tilespmem:s25+$0xFFFFFFE0] =	vst v5  }
0xb2: {  	[tilespmem:s25+$0xFFFFFFF0] =	vst v4  }
0xb3: {  	s26 =	sshll.u32 s23, $0x13;
	[tilespmem:s25+$0x0] =	vst v3  }
0xb4: {  	s26 =	sor.u32 s9, s26;
	[tilespmem:s25+$0x10] =	vst v1  }
0xb5: {  	p1 =	seq.s32 s23, $0x18;
	s26 =	sshrl.u32 s26, $0x3;
	[tilespmem:s25+$0x20] =	vst v0  }
0xb6: {  	s30 =	sadd.s32 s1, s26;
	[tilespmem:s25+$0xFFFFFFC0] =	vst v2;
	s25 =	sshll.u32 @!p1 s23, $0xD  }
0xb7: {  	[hbm4b:s30+s15] =	stream.strided.scatter [tilespmem:s17], [sflag:$0x3], $0x1000, s16, s15, $0x38;
	[tilespmem:$0x1F8A0] =	vst v63  }
0xb8: {  	s25 =	sand.u32 @!p1 $0x3FFFE000, s25;
	_ =	swait.ge [sflag:s18], $0x1000  }
0xb9: {  	p2 =	seq.s32 @!p1 s23, $0x0;
	s25 =	sadd.s32 @!p1 s25, s2;
	[sflag:s18] =	ssyncset.done $0x0  }
0xba: {  	s26 =	simm.s32 @!p1 $0x186A0;
	s25 =	sadd.s32 @!p1 $0x2000, s25;
	[sflag:s18] =	ssyncadd.s32 $0xFFFFF000  }
0xbb: {  	[tilespmem:s26], [sflag:$0x1] =	stream.linear.gather @!p1 [spmem:s25], $0x1000, $0x38;
	[tilespmem:$0x1F8A0] =	vst v63  }
0xbc: {  	p1 =	por p1, !p2  }
0xbd: {  	_ =	swait.ge @p1 [sflag:s21], $0x1000  }
0xbe: {  	[sflag:s21] =	ssyncset.done @p1 $0x0  }
0xbf: {  	s31 =	simm.s32 $0x196E0;
	[sflag:s21] =	ssyncadd.s32 @p1 $0xFFFFF000  }
0xc0: {  	v0 =	vld [tilespmem:s31+$0x30]  }
0xc1: {  	v1 =	vld [tilespmem:s31+$0xFFFFFFD0]  }
0xc2: {  	v2 =	vld [tilespmem:s31+$0xFFFFFFE0]  }
0xc3: {  	v3 =	vld [tilespmem:s31+$0xFFFFFFF0]  }
0xc4: {  	v6 =	vld [tilespmem:s31+$0x0]  }
0xc5: {  	v7 =	vld [tilespmem:s31+$0x10]  }
0xc6: {  	v8 =	vld [tilespmem:s31+$0x20]  }
0xc7: {  	v9 =	vld [tilespmem:s31+$0xFFFFFFC0]  }
0xc8: {  	v10 =	vld.idx.msk [tilespmem:v0+s3+$0x0], $0xffff  }
0xc9: {  	v11 =	vld.idx.msk [tilespmem:v1+s3+$0x0], $0xffff  }
0xca: {  	v5 =	vld.idx.msk [tilespmem:v2+s3+$0x0], $0xffff  }
0xcb: {  	v4 =	vld.idx.msk [tilespmem:v3+s3+$0x0], $0xffff  }
0xcc: {  	v3 =	vld.idx.msk [tilespmem:v6+s3+$0x0], $0xffff  }
0xcd: {  	s25 =	simm.s32 $0x1B6E0;
	v1 =	vld.idx.msk [tilespmem:v7+s3+$0x0], $0xffff  }
0xce: {  	v0 =	vld.idx.msk [tilespmem:v8+s3+$0x0], $0xffff;
	[tilespmem:s25+$0x30] =	vst v10  }
0xcf: {  	s28 =	simm.s32 $0x19760;
	s26 =	simm.s32 $0x0;
	v2 =	vld.idx.msk [tilespmem:v9+s3+$0x0], $0xffff;
	[tilespmem:s25+$0xFFFFFFD0] =	vst v11  }
.LBB2_11:
0xd0: {  	v6 =	vld [tilespmem:s28+$0x30];
	s26 =	sadd.s32 $0x8, s26;
	[tilespmem:s25+$0xFFFFFFE0] =	vst v5  }
0xd1: {  	v5 =	vld [tilespmem:s28+$0xFFFFFFD0];
	p1 =	slt.u32 s26, $0xF8;
	[tilespmem:s25+$0xFFFFFFF0] =	vst v4  }
0xd2: {  	v4 =	vld [tilespmem:s28+$0xFFFFFFE0];
	[tilespmem:s25+$0x0] =	vst v3  }
0xd3: {  	v3 =	vld [tilespmem:s28+$0xFFFFFFF0];
	[tilespmem:s25+$0x10] =	vst v1  }
0xd4: {  	v1 =	vld [tilespmem:s28+$0x0];
	[tilespmem:s25+$0x20] =	vst v0  }
0xd5: {  	v0 =	vld [tilespmem:s28+$0x10];
	[tilespmem:s25+$0xFFFFFFC0] =	vst v2  }
0xd6: {  	v2 =	vld [tilespmem:s28+$0x20]  }
0xd7: {  	v7 =	vld [tilespmem:s28+$0xFFFFFFC0]  }
0xd8: {  	v6 =	vld.idx.msk [tilespmem:v6+s3+$0x0], $0xffff  }
0xd9: {  	v8 =	vld.idx.msk [tilespmem:v5+s3+$0x0], $0xffff  }
0xda: {  	v5 =	vld.idx.msk [tilespmem:v4+s3+$0x0], $0xffff  }
.Ltmp4:
0xdb: {  	v4 =	vld.idx.msk [tilespmem:v3+s3+$0x0], $0xffff;
	(pc) =	sbr.rel @p1 .LBB2_11-.Ltmp4, $4  }
0xdc: {  	v3 =	vld.idx.msk [tilespmem:v1+s3+$0x0], $0xffff  }
0xdd: {  	s25 =	sadd.s32 $0x80, s25;
	v1 =	vld.idx.msk [tilespmem:v0+s3+$0x0], $0xffff  }
0xde: {  	v0 =	vld.idx.msk [tilespmem:v2+s3+$0x0], $0xffff;
	[tilespmem:s25+$0x30] =	vst v6  }
0xdf: {  	s28 =	sadd.s32 $0x80, s28;
	v2 =	vld.idx.msk [tilespmem:v7+s3+$0x0], $0xffff;
	[tilespmem:s25+$0xFFFFFFD0] =	vst v8  }
0xe0: {  	[tilespmem:s25+$0xFFFFFFE0] =	vst v5;
	s23 =	sadd.s32 $0x1, s23  }
0xe1: {  	[tilespmem:s25+$0xFFFFFFF0] =	vst v4;
	p1 =	sne.s32 s23, $0x19  }
.Ltmp5:
0xe2: {  	s24 =	sshll.u32 s24, $0x12;
	[tilespmem:s25+$0x0] =	vst v3;
	(pc) =	sbr.rel @p1 .LBB2_8-.Ltmp5, $4  }
0xe3: {  	s24 =	sor.u32 s9, s24;
	[tilespmem:s25+$0x10] =	vst v1  }
0xe4: {  	s24 =	sshrl.u32 s24, $0x3;
	[tilespmem:s25+$0x20] =	vst v0  }
0xe5: {  	s24 =	sadd.s32 s1, s24;
	[tilespmem:s25+$0xFFFFFFC0] =	vst v2  }
0xe6: {  	[hbm4b:s24+s15] =	stream.strided.scatter [tilespmem:s19], [sflag:$0x4], $0x1000, s16, s15, $0x38;
	[tilespmem:$0x1F8A0] =	vst v63  }
0xe7: {  	s22 =	sadd.s32 $0x1, s22  }
0xe8: {  	_ =	swait.ge [sflag:s20], $0x1000;
	p1 =	sne.s32 s22, s7  }
.Ltmp6:
0xe9: {  	[sflag:s20] =	ssyncset.done $0x0;
	(pc) =	sbr.rel @p1 .LBB2_1-.Ltmp6, $4  }
0xea: {  	[sflag:s20] =	ssyncadd.s32 $0xFFFFF000  }
0xeb: {  	_ =	swait.ge [sflag:s21], $0x1000  }
0xec: {  	[sflag:s21] =	ssyncset.done $0x0  }
0xed: {  	[sflag:s21] =	ssyncadd.s32 $0xFFFFF000  }
0xee: {  	_ =	sfence.sel $0x180000  }
0xef: {  	[bflag:$0x0] =	sbarrier.arrive $0xFFFF  }
0xf0: {  	_ =	strace $0x9000004A  }
0xf1: {  	s0 =	sadd.s32 @!p0 $0x100000, s0;
	[bflag:$0x2] =	sbarrier.arrive $0xFFFF  }
0xf2: {  	[sflag:s0] =	ssyncadd.tile.s32 @!p0 $0x1;
	_ =	shalt  }
.Lfunc_end2:
_tile_overlayer_lowered:
.L_overlay_start_2:
0xf3: {  	(tag) =	ssettag $0x2  }
0xf4: {  	s0 =	rddreg [dreg:$0x0];
	s2 =	stileid.u32  }
0xf5: {  	s1 =	rddreg [dreg:$0x1];
	p0 =	sne.s32 s2, $0x0  }
0xf6: {  	s3 =	rddreg [dreg:$0x2];
	[bflag:$0x3] =	sbarrier.arrive $0xFFFF;
	s2 =	simm.s32 @!p0 $0x1C05  }
0xf7: {  	[timem:s3], [sflag:s2] =	dma.local @!p0 [hbm:s0], s1  }
0xf8: {  	s0 =	simm.s32 @!p0 $0x5  }
0xf9: {  	_ =	swait.ge @!p0 [sflag:s0], s1  }
0xfa: {  	s1 =	ssub.s32 @!p0 $0x0, s1;
	[sflag:s0] =	ssyncset.done @!p0 $0x0  }
0xfb: {  	[sflag:s0] =	ssyncadd.s32 @!p0 s1  }
0xfc: {  	[bflag:$0x3] =	sbarrier.arrive $0xFFFF  }
0xfd: {  	_ =	shalt  }

// kernel: kernel.7.cloned.1.call-start
scs
__scs_entry_jumppad:
0x0: {  	(pc) =	sbr.rel $0x88, $3  }
0x1: {  	(tag) =	ssettag $0x0;
	lr =	simm.s32 $0x1  }
0x2: {  	[smem:$0x3F9D] =	sst lr;
	_ =	strace $0xD0000000  }
0x3: {  	_ = 	snop  }
0x4: {  	_ = 	snop  }
0x5: {  	_ = 	snop  }
0x6: {  	_ = 	snop  }
0x7: {  	_ = 	snop  }
__scs_overlays_trampoline_lowered:
0x8: {  	[smem:$0x3FAC] =	sst s0  }
0x9: {  	[smem:$0x3FAD] =	sst s1  }
0xa: {  	[smem:$0x3FAE] =	sst s2  }
0xb: {  	[smem:$0x3FAF] =	sst s3  }
0xc: {  	[smem:$0x3FB0] =	sst s4  }
0xd: {  	[smem:$0x3FB1] =	sst s5  }
0xe: {  	[smem:$0x3FB2] =	sst s6  }
0xf: {  	[smem:$0x3FB3] =	sst s7  }
0x10: {  	[smem:$0x3FB4] =	sst s8  }
0x11: {  	[smem:$0x3FB5] =	sst s9;
	s0 =	simm.s32 @!p0 $0x0  }
0x12: {  	s1 =	sld [smem:$0x3F9B];
	s0 =	simm.s32 @p0 $0x1  }
0x13: {  	[smem:$0x3FB6] =	sst s0;
	s0 =	simm.s32 @!p1 $0x0  }
0x14: {  	s2 =	sld [smem:$0x3F9A];
	s0 =	simm.s32 @p1 $0x1  }
0x15: {  	[smem:$0x3FB7] =	sst s0;
	s0 =	simm.s32 @!p2 $0x0  }
0x16: {  	s3 =	sld [smem:$0x3FDB];
	s0 =	simm.s32 @p2 $0x1  }
0x17: {  	s4 =	simm.s32 $0x1BF5;
	[smem:$0x3FB9] =	sst s0  }
0x18: {  	s0 =	sld [smem:$0x3F9C];
	_ =	swait.ge [sflag:s4], $0x0  }
0x19: {  	s7 =	sld [smem:$0x3F9D]  }
0x1a: {  	s8 =	sadd.s32 $0xFFFFE003, lr  }
0x1b: {  	s9 =	sadd.s32 $0xFFFFFEF7, lr;
	s5 =	simm.s32 $0xFFFFFFFF;
	p2 =	slt.u32 s8, $0xFFFFF086  }
0x1c: {  	p1 =	slt.u32 s9, $0xF7A;
	s5 =	simm.s32 @!p2 $0x0  }
0x1d: {  	s5 =	simm.s32 @p1 $0x1;
	p0 =	seq.s32 s7, s2  }
0x1e: {  	s7 =	smul.u32 @!p0 $0xF7A, s2;
	p2 =	seq.s32 @!p0 s5, $0x0  }
0x1f: {  	s9 =	smul.u32 $0xF7A, s1;
	s8 =	simm.s32 @!p0 $0x1BF5;
	p2 =	por !p2, p0  }
0x20: {  	[sflag:s8] =	ssyncset.s32 @!p0 $0xFFFFF086;
	s6 =	sadd.s32 @!p0 s3, s7;
	s7 =	simm.s32 @!p0 $0x108  }
0x21: {  	s3 =	sadd.s32 s3, s9;
	s6 =	sadd.s32 @!p0 $0x88, s6;
	s7 =	simm.s32 @p2 $0x1082  }
0x22: {  	[simem:s7], [sflag:s8] =	dma.local @!p0 [hbm:s6], $0xF7A  }
0x23: {  	s9 =	sor.u32 $0xD0000000, s2;
	s6 =	simm.s32 $0x108;
	_ =	swait.ge @!p0 [sflag:s8], $0x0  }
0x24: {  	s3 =	sadd.s32 $0x88, s3;
	s6 =	simm.s32 @!p1 $0x1082;
	[sflag:s4] =	ssyncset.s32 $0xFFFFF086  }
0x25: {  	[simem:s6], [sflag:s4] =	dma.local [hbm:s3], $0xF7A  }
0x26: {  	[smem:$0x3F9D] =	sst s1;
	(tag) =	ssettag s2;
	_ =	strace s9  }
0x27: {  	s1 =	sld [smem:$0x3FAD]  }
0x28: {  	s2 =	sld [smem:$0x3FAE]  }
0x29: {  	s4 =	sld [smem:$0x3FB0]  }
0x2a: {  	p0 =	seq.s32 s5, $0x0;
	s5 =	sld [smem:$0x3FB1]  }
0x2b: {  	s6 =	sld [smem:$0x3FB2]  }
0x2c: {  	s7 =	sld [smem:$0x3FB3]  }
0x2d: {  	s3 =	simm.s32 $0x108;
	s8 =	sld [smem:$0x3FB4]  }
0x2e: {  	s3 =	simm.s32 @!p0 $0x1082;
	s9 =	sld [smem:$0x3FB5]  }
0x2f: {  	lr =	sadd.s32 s0, s3;
	s0 =	sld [smem:$0x3FAC]  }
0x30: {  	s3 =	sld [smem:$0x3FAF]  }
0x31: {  	[smem:$0x3FB8] =	sst s10  }
0x32: {  	s10 =	sld [smem:$0x3FB6];
	_ =	sdelay $0x3  }
0x33: {  	p0 =	seq.s32 s10, $0x1;
	s10 =	sld [smem:$0x3FB8];
	_ =	sdelay $0x3  }
0x34: {  	[smem:$0x3FB8] =	sst s10  }
0x35: {  	s10 =	sld [smem:$0x3FB7];
	_ =	sdelay $0x3  }
0x36: {  	p1 =	seq.s32 s10, $0x1;
	s10 =	sld [smem:$0x3FB8];
	_ =	sdelay $0x3  }
0x37: {  	[smem:$0x3FB8] =	sst s10  }
0x38: {  	s10 =	sld [smem:$0x3FB9]  }
0x39: {  	_ = 	snop;
	(pc) =	sbr.ind lr, $3  }
0x3a: {  	_ = 	snop  }
0x3b: {  	_ = 	snop  }
0x3c: {  	p2 =	seq.s32 s10, $0x1;
	s10 =	sld [smem:$0x3FB8]  }
0x3d: {  	_ =	shalt  }
0x3e: {  	_ =	shalt  }
0x3f: {  	_ =	shalt  }
0x40: {  	_ =	shalt  }
0x41: {  	_ =	shalt  }
0x42: {  	_ =	shalt  }
0x43: {  	_ =	shalt  }
0x44: {  	_ =	shalt  }
0x45: {  	_ =	shalt  }
0x46: {  	_ =	shalt  }
0x47: {  	_ =	shalt  }
0x48: {  	_ =	shalt  }
0x49: {  	_ =	shalt  }
0x4a: {  	_ =	shalt  }
0x4b: {  	_ =	shalt  }
0x4c: {  	_ =	shalt  }
0x4d: {  	_ =	shalt  }
0x4e: {  	_ =	shalt  }
0x4f: {  	_ =	shalt  }
0x50: {  	_ =	shalt  }
0x51: {  	_ =	shalt  }
0x52: {  	_ =	shalt  }
0x53: {  	_ =	shalt  }
0x54: {  	_ =	shalt  }
0x55: {  	_ =	shalt  }
0x56: {  	_ =	shalt  }
0x57: {  	_ =	shalt  }
0x58: {  	_ =	shalt  }
0x59: {  	_ =	shalt  }
0x5a: {  	_ =	shalt  }
0x5b: {  	_ =	shalt  }
0x5c: {  	_ =	shalt  }
0x5d: {  	_ =	shalt  }
0x5e: {  	_ =	shalt  }
0x5f: {  	_ =	shalt  }
0x60: {  	_ =	shalt  }
0x61: {  	_ =	shalt  }
0x62: {  	_ =	shalt  }
0x63: {  	_ =	shalt  }
0x64: {  	_ =	shalt  }
0x65: {  	_ =	shalt  }
0x66: {  	_ =	shalt  }
0x67: {  	_ =	shalt  }
0x68: {  	_ =	shalt  }
0x69: {  	_ =	shalt  }
0x6a: {  	_ =	shalt  }
0x6b: {  	_ =	shalt  }
0x6c: {  	_ =	shalt  }
0x6d: {  	_ =	shalt  }
0x6e: {  	_ =	shalt  }
0x6f: {  	_ =	shalt  }
0x70: {  	_ =	shalt  }
0x71: {  	_ =	shalt  }
0x72: {  	_ =	shalt  }
0x73: {  	_ =	shalt  }
0x74: {  	_ =	shalt  }
0x75: {  	_ =	shalt  }
0x76: {  	_ =	shalt  }
0x77: {  	_ =	shalt  }
0x78: {  	_ =	shalt  }
0x79: {  	_ =	shalt  }
0x7a: {  	_ =	shalt  }
0x7b: {  	_ =	shalt  }
0x7c: {  	_ =	shalt  }
0x7d: {  	_ =	shalt  }
0x7e: {  	_ =	shalt  }
0x7f: {  	_ =	shalt  }
0x80: {  	_ =	shalt  }
0x81: {  	_ =	shalt  }
0x82: {  	_ =	shalt  }
0x83: {  	_ =	shalt  }
0x84: {  	_ =	shalt  }
0x85: {  	_ =	shalt  }
0x86: {  	_ =	shalt  }
0x87: {  	_ =	shalt  }
.Lfunc_end0:
.L_simem_size_0:
called_computation.1_lowered:
.L_overlay_start_0:
0x88: {  	s2 =	sld [smem:$0x3FD9]  }
0x89: {  	s3 =	sld [smem:$0x3FFE];
	_ =	sdelay $0x1  }
0x8a: {  	s1 =	srdreg.scid  }
0x8b: {  	s0 =	sand.u32 $0x1, s1  }
0x8c: {  	s14 =	sshll.u32 s0, $0xA;
	s2 =	sadd.s32 s3, s2  }
0x8d: {  	s2 =	sadd.s32 s2, s14  }
0x8e: {  	[smem:$0x3FC4] =	sst s2  }
0x8f: {  	_ = 	snop  }
0x90: {  	s2 =	sld [smem:$0x3FD0];
	_ =	sdelay $0x2  }
0x91: {  	s15 =	simm.s32 $0xB;
	s4 =	simm.s32 $0x10  }
0x92: {  	[smem:s4], [sflag:s15] =	dma.local [hbm:s2], $0x1  }
0x93: {  	_ =	swait.eq [sflag:s15], $0x1  }
0x94: {  	[sflag:s15] =	ssyncset.done $0x0  }
0x95: {  	[sflag:s15] =	ssyncadd.s32 $0xFFFFFFFF  }
0x96: {  	s16 =	sld [smem:$0x11];
	(tm) =	ssettm $0x1  }
0x97: {  	s17 =	sld [smem:$0x3FFB];
	_ =	sdelay $0x3  }
0x98: {  	_ =	strace s17  }
0x99: {  	s3 =	sld [smem:$0x3FFC];
	_ =	sdelay $0x3  }
0x9a: {  	_ =	strace s3  }
0x9b: {  	s3 =	sld [smem:$0x3FFD];
	_ =	sdelay $0x3  }
0x9c: {  	_ =	strace s3  }
0x9d: {  	_ =	strace $0x8FFFFFFF  }
0x9e: {  	s18 =	sld [smem:$0x3FDB];
	_ =	sdelay $0x1  }
0x9f: {  	s19 =	simm.s32 $_scs_section_size  }
0xa0: {  	s5 =	simm.s32 $_size__tile_overlayer_lowered;
	s6 =	simm.s32 $_tile_overlayer_lowered  }
0xa1: {  	s22 =	simm.s32 $0x1BFF;
	s21 =	sshll.u32 s6, $0x1;
	s3 =	sadd.s32 s19, s18  }
0xa2: {  	s7 =	simm.s32 $0x0;
	s20 =	sshll.u32 s5, $0x1;
	s5 =	sadd.s32 s21, s3  }
0xa3: {  	[timem:s7], [sflag:s22] =	dma.local [hbm:s5], s20  }
0xa4: {  	_ =	swait.ge [sflag:s22], s20  }
0xa5: {  	s4 =	ssub.s32 $0x0, s20;
	[sflag:s22] =	ssyncset.done $0x0  }
0xa6: {  	[sflag:s22] =	ssyncadd.s32 s4;
	_ =	sdelay $0x1  }
0xa7: {  	s23 =	simm.s32 $0x1B8B  }
0xa8: {  	_ =	swait.ge [sflag:s23], $0x1  }
0xa9: {  	[sflag:s23] =	ssyncset.done $0x0  }
0xaa: {  	s25 =	simm.s32 $0x1B8E;
	s24 =	sld [smem:$0x3FFE];
	[sflag:s23] =	ssyncadd.s32 $0xFFFFFFFF  }
0xab: {  	s26 =	simm.s32 $execute0_lowered;
	[smem:$0x3FD2] =	sst s25  }
0xac: {  	s5 =	sshll.u32 s26, $0x1;
	_ =	strace $0x80000046;
	[dreg:$0x1] =	wrdreg $0xFFFFFFFF  }
0xad: {  	s28 =	simm.s32 $_size_execute0_lowered;
	s3 =	sadd.s32 s3, s5;
	[dreg:$0x0] =	wrdreg $0x0  }
0xae: {  	s5 =	sshll.u32 s28, $0x1;
	[dreg:$0x2] =	wrdreg s3  }
0xaf: {  	[dreg:$0x3] =	wrdreg s5  }
0xb0: {  	[dreg:$0x4] =	wrdreg $0xC0  }
0xb1: {  	_ =	task [dreg:s7], $0x5FFFF  }
0xb2: {  	[dreg:$0x1] =	wrdreg $0xFFFFFFFF  }
0xb3: {  	[dreg:$0x0] =	wrdreg $0x60  }
0xb4: {  	[dreg:$0x2] =	wrdreg s24  }
0xb5: {  	[dreg:$0x3] =	wrdreg s16  }
0xb6: {  	[dreg:$0x4] =	wrdreg $0x1C6A00  }
0xb7: {  	[dreg:$0x5] =	wrdreg $0xA  }
0xb8: {  	_ =	task.clear_ibuf [dreg:s7], $0x6FFFF;
	_ =	strace $0x90000046  }
0xb9: {  	s29 =	simm.s32 $0xA;
	_ =	strace $0x80000048  }
0xba: {  	_ =	swait.ge [sflag:s29], $0x1  }
0xbb: {  	[sflag:s29] =	ssyncadd.s32 $0xFFFFFFFF  }
0xbc: {  	_ =	strace $0x90000048  }
0xbd: {  	_ =	sfence  }
0xbe: {  	s30 =	sld [smem:$0x0];
	_ =	sdelay $0x2  }
0xbf: {  	s31 =	sshll.u32 s1, $0xD;
	s1 =	sshrl.u32 s1, $0x2  }
0xc0: {  	s3 =	sand.u32 $0x4000, s31;
	s1 =	sadd.s32 s1, s30  }
0xc1: {  	s0 =	sor.u32 s3, s0;
	s1 =	sshll.u32 s1, $0x11  }
0xc2: {  	s0 =	sor.u32 s1, s0  }
0xc3: {  	s0 =	sadd.s32 $0x8F2B, s0  }
0xc4: {  	[sflag:s0] =	ssyncadd.remote.s32 $0x1  }
0xc5: {  	_ =	sfence.sel $0xFFFF  }
0xc6: {  	[dreg:$0x0] =	wrdreg $0xFFFFFFFF;
	(pc) =	sbr.abs _section_cstart, $3  }
0xc7: {  	[dreg:$0x1] =	wrdreg $0xFFFFFFFF  }
0xc8: {  	_ =	task.clear_ibuf [dreg:s7], $0x2FFFF;
	_ =	strace $0x9FFFFFFF  }
0xc9: {  	(tm) =	ssettm $0x7FFFFFFF  }
tec
execute0_lowered:
.L_overlay_start_1:
0x0: {  	(tag) =	ssettag $0x1  }
0x1: {  	s5 =	rddreg [dreg:$0x0]  }
0x2: {  	s1 =	rddreg [dreg:$0x1]  }
0x3: {  	s2 =	rddreg [dreg:$0x2]  }
0x4: {  	s0 =	rddreg [dreg:$0x3];
	s3 =	simm.s32 $0x0;
	s4 =	srdreg.scid  }
0x5: {  	s8 =	stileid.u32;
	s14 =	simm.s32 $0x196A0;
	s15 =	simm.s32 $0x80  }
0x6: {  	s16 =	simm.s32 $0x400;
	s17 =	simm.s32 $0x1A6A0;
	s18 =	simm.s32 $0x2  }
0x7: {  	s19 =	simm.s32 $0x1B6A0;
	s20 =	simm.s32 $0x3;
	s21 =	simm.s32 $0x4  }
0x8: {  	s22 =	simm.s32 $0x0;
	[smem:$0x7FF] =	sst s3;
	s6 =	sand.u32 $0x1, s4  }
0x9: {  	s4 =	sadd.s32 $0x2600, s5;
	s10 =	sshll.u32 s8, $0x2;
	s11 =	sadd.s32 $0x8A00, s5  }
0xa: {  	s31 =	sshll.u32 s8, $0xE;
	s7 =	ssub.s32 $0x2, s6;
	s6 =	sshll.u32 s6, $0x1  }
0xb: {  	p0 =	sne.s32 s8, $0x0;
	s9 =	sshrl.u32 s7, $0x1;
	s30 =	sor.u32 s6, s10  }
0xc: {  	_ =	strace $0x80000047;
	s7 =	ssub.s32 s7, s9;
	s10 =	sor.u32 $0x1, s30  }
0xd: {  	s6 =	smul.u32 $0x30D4, s30;
	s13 =	sshll.u32 s30, $0x7;
	s12 =	sshll.u32 s10, $0x7  }
0xe: {  	s10 =	smul.u32 $0x30D4, s10;
	s9 =	sor.u32 s13, s31;
	s7 =	smax.u32 s7, $0x1  }
0xf: {  	s13 =	simm.s32 $0x1;
	s5 =	sadd.s32 s11, s6;
	s12 =	sor.u32 s12, s31  }
0x10: {  	s8 =	sand.u32 $0x38300, s9;
	s6 =	sadd.s32 s11, s10;
	s9 =	sand.u32 $0x38380, s12  }
0x11: {  	s10 =	sshrl.u32 @!p0 s2, $0x3;
	s11 =	simm.s32 $0x5;
	s12 =	simm.s32 $0x186A0  }
.LBB2_1:
0x12: {  	s23 =	simm.s32 @!p0 $0x1C05  }
0x13: {  	[spmem:s10], [sflag:s23] =	dma.local @!p0 [hbm:s4], $0x6400  }
0x14: {  	s23 =	simm.s32 @!p0 $0x5  }
0x15: {  	_ =	swait.ge @!p0 [sflag:s23], $0x6400  }
0x16: {  	[sflag:s23] =	ssyncset.done @!p0 $0x0  }
0x17: {  	[sflag:s23] =	ssyncadd.s32 @!p0 $0xFFFF9C00  }
0x18: {  	[bflag:$0x0] =	sbarrier.arrive $0xFFFF  }
0x19: {  	[tilespmem:s3], [sflag:$0x5] =	stream.linear.gather [hbm4b:s5+s3], $0x186A0, $0x38;
	[tilespmem:$0x1F8A0] =	vst v63  }
0x1a: {  	_ =	swait.ge [sflag:s11], $0x186A0  }
0x1b: {  	[sflag:s11] =	ssyncset.done $0x0  }
0x1c: {  	s23 =	simm.s32 $0x0;
	[sflag:s11] =	ssyncadd.s32 $0xFFFE7960  }
0x1d: {  	[tilespmem:s12], [sflag:$0x1] =	stream.linear.gather [spmem:s2], $0x1000, $0x38;
	[tilespmem:$0x1F8A0] =	vst v63  }
.LBB2_2:
0x1e: {  	s24 =	sshllo.u32 s23, $0x1  }
0x1f: {  	_ =	swait.ge [sflag:s13], $0x1000;
	s25 =	sshll.u32 s24, $0xC  }
0x20: {  	[sflag:s13] =	ssyncset.done $0x0;
	s25 =	sand.u32 $0x3FFFF000, s25  }
0x21: {  	p1 =	seq.s32 s23, $0x0;
	[sflag:s13] =	ssyncadd.s32 $0xFFFFF000;
	s25 =	sadd.s32 s25, s2  }
0x22: {  	[tilespmem:s14], [sflag:$0x2] =	stream.linear.gather [spmem:s25], $0x1000, $0x38;
	[tilespmem:$0x1F8A0] =	vst v63  }
0x23: {  	s25 =	simm.s32 @!p1 $0x3  }
0x24: {  	_ =	swait.ge @!p1 [sflag:s25], $0x1000  }
0x25: {  	[sflag:s25] =	ssyncset.done @!p1 $0x0  }
0x26: {  	s31 =	simm.s32 $0x186E0;
	[sflag:s25] =	ssyncadd.s32 @!p1 $0xFFFFF000  }
0x27: {  	v0 =	vld [tilespmem:s31+$0x30]  }
0x28: {  	v1 =	vld [tilespmem:s31+$0xFFFFFFD0]  }
0x29: {  	v2 =	vld [tilespmem:s31+$0xFFFFFFE0]  }
0x2a: {  	v3 =	vld [tilespmem:s31+$0xFFFFFFF0]  }
0x2b: {  	v6 =	vld [tilespmem:s31+$0x0]  }
0x2c: {  	v7 =	vld [tilespmem:s31+$0x10]  }
0x2d: {  	v8 =	vld [tilespmem:s31+$0x20]  }
0x2e: {  	v9 =	vld [tilespmem:s31+$0xFFFFFFC0]  }
0x2f: {  	v10 =	vld.idx.msk [tilespmem:v0+s3+$0x0], $0xffff  }
0x30: {  	v11 =	vld.idx.msk [tilespmem:v1+s3+$0x0], $0xffff  }
0x31: {  	v5 =	vld.idx.msk [tilespmem:v2+s3+$0x0], $0xffff  }
0x32: {  	v4 =	vld.idx.msk [tilespmem:v3+s3+$0x0], $0xffff  }
0x33: {  	v3 =	vld.idx.msk [tilespmem:v6+s3+$0x0], $0xffff  }
0x34: {  	s25 =	simm.s32 $0x1A6E0;
	v1 =	vld.idx.msk [tilespmem:v7+s3+$0x0], $0xffff  }
0x35: {  	v0 =	vld.idx.msk [tilespmem:v8+s3+$0x0], $0xffff;
	[tilespmem:s25+$0x30] =	vst v10  }
0x36: {  	s26 =	simm.s32 $0x0;
	s28 =	simm.s32 $0x18760;
	v2 =	vld.idx.msk [tilespmem:v9+s3+$0x0], $0xffff;
	[tilespmem:s25+$0xFFFFFFD0] =	vst v11  }
.LBB2_3:
0x37: {  	v6 =	vld [tilespmem:s28+$0x30];
	s26 =	sadd.s32 $0x8, s26;
	[tilespmem:s25+$0xFFFFFFE0] =	vst v5  }
0x38: {  	v5 =	vld [tilespmem:s28+$0xFFFFFFD0];
	p1 =	slt.u32 s26, $0xF8;
	[tilespmem:s25+$0xFFFFFFF0] =	vst v4  }
0x39: {  	v4 =	vld [tilespmem:s28+$0xFFFFFFE0];
	[tilespmem:s25+$0x0] =	vst v3  }
0x3a: {  	v3 =	vld [tilespmem:s28+$0xFFFFFFF0];
	[tilespmem:s25+$0x10] =	vst v1  }
0x3b: {  	v1 =	vld [tilespmem:s28+$0x0];
	[tilespmem:s25+$0x20] =	vst v0  }
0x3c: {  	v0 =	vld [tilespmem:s28+$0x10];
	[tilespmem:s25+$0xFFFFFFC0] =	vst v2  }
0x3d: {  	v2 =	vld [tilespmem:s28+$0x20]  }
0x3e: {  	v7 =	vld [tilespmem:s28+$0xFFFFFFC0]  }
0x3f: {  	v6 =	vld.idx.msk [tilespmem:v6+s3+$0x0], $0xffff  }
0x40: {  	v8 =	vld.idx.msk [tilespmem:v5+s3+$0x0], $0xffff  }
0x41: {  	v5 =	vld.idx.msk [tilespmem:v4+s3+$0x0], $0xffff  }
.Ltmp0:
0x42: {  	v4 =	vld.idx.msk [tilespmem:v3+s3+$0x0], $0xffff;
	(pc) =	sbr.rel @p1 .LBB2_3-.Ltmp0, $4  }
0x43: {  	v3 =	vld.idx.msk [tilespmem:v1+s3+$0x0], $0xffff  }
0x44: {  	s25 =	sadd.s32 $0x80, s25;
	v1 =	vld.idx.msk [tilespmem:v0+s3+$0x0], $0xffff  }
0x45: {  	v0 =	vld.idx.msk [tilespmem:v2+s3+$0x0], $0xffff;
	[tilespmem:s25+$0x30] =	vst v6  }
0x46: {  	s28 =	sadd.s32 $0x80, s28;
	v2 =	vld.idx.msk [tilespmem:v7+s3+$0x0], $0xffff;
	[tilespmem:s25+$0xFFFFFFD0] =	vst v8  }
0x47: {  	[tilespmem:s25+$0xFFFFFFE0] =	vst v5  }
0x48: {  	[tilespmem:s25+$0xFFFFFFF0] =	vst v4  }
0x49: {  	s26 =	sshll.u32 s23, $0x13;
	[tilespmem:s25+$0x0] =	vst v3  }
0x4a: {  	s26 =	sor.u32 s8, s26;
	[tilespmem:s25+$0x10] =	vst v1  }
0x4b: {  	p1 =	seq.s32 s23, $0x18;
	s26 =	sshrl.u32 s26, $0x3;
	[tilespmem:s25+$0x20] =	vst v0  }
0x4c: {  	s30 =	sadd.s32 s1, s26;
	[tilespmem:s25+$0xFFFFFFC0] =	vst v2;
	s25 =	sshll.u32 @!p1 s23, $0xD  }
0x4d: {  	[hbm4b:s30+s15] =	stream.strided.scatter [tilespmem:s17], [sflag:$0x3], $0x1000, s16, s15, $0x38;
	[tilespmem:$0x1F8A0] =	vst v63  }
0x4e: {  	s25 =	sand.u32 @!p1 $0x3FFFE000, s25;
	_ =	swait.ge [sflag:s18], $0x1000  }
0x4f: {  	p2 =	seq.s32 @!p1 s23, $0x0;
	s25 =	sadd.s32 @!p1 s25, s2;
	[sflag:s18] =	ssyncset.done $0x0  }
0x50: {  	s26 =	simm.s32 @!p1 $0x186A0;
	s25 =	sadd.s32 @!p1 $0x2000, s25;
	[sflag:s18] =	ssyncadd.s32 $0xFFFFF000  }
0x51: {  	[tilespmem:s26], [sflag:$0x1] =	stream.linear.gather @!p1 [spmem:s25], $0x1000, $0x38;
	[tilespmem:$0x1F8A0] =	vst v63  }
0x52: {  	p1 =	por p1, !p2  }
0x53: {  	_ =	swait.ge @p1 [sflag:s21], $0x1000  }
0x54: {  	[sflag:s21] =	ssyncset.done @p1 $0x0  }
0x55: {  	s31 =	simm.s32 $0x196E0;
	[sflag:s21] =	ssyncadd.s32 @p1 $0xFFFFF000  }
0x56: {  	v0 =	vld [tilespmem:s31+$0x30]  }
0x57: {  	v1 =	vld [tilespmem:s31+$0xFFFFFFD0]  }
0x58: {  	v2 =	vld [tilespmem:s31+$0xFFFFFFE0]  }
0x59: {  	v3 =	vld [tilespmem:s31+$0xFFFFFFF0]  }
0x5a: {  	v6 =	vld [tilespmem:s31+$0x0]  }
0x5b: {  	v7 =	vld [tilespmem:s31+$0x10]  }
0x5c: {  	v8 =	vld [tilespmem:s31+$0x20]  }
0x5d: {  	v9 =	vld [tilespmem:s31+$0xFFFFFFC0]  }
0x5e: {  	v10 =	vld.idx.msk [tilespmem:v0+s3+$0x0], $0xffff  }
0x5f: {  	v11 =	vld.idx.msk [tilespmem:v1+s3+$0x0], $0xffff  }
0x60: {  	v5 =	vld.idx.msk [tilespmem:v2+s3+$0x0], $0xffff  }
0x61: {  	v4 =	vld.idx.msk [tilespmem:v3+s3+$0x0], $0xffff  }
0x62: {  	v3 =	vld.idx.msk [tilespmem:v6+s3+$0x0], $0xffff  }
0x63: {  	s25 =	simm.s32 $0x1B6E0;
	v1 =	vld.idx.msk [tilespmem:v7+s3+$0x0], $0xffff  }
0x64: {  	v0 =	vld.idx.msk [tilespmem:v8+s3+$0x0], $0xffff;
	[tilespmem:s25+$0x30] =	vst v10  }
0x65: {  	s28 =	simm.s32 $0x19760;
	s26 =	simm.s32 $0x0;
	v2 =	vld.idx.msk [tilespmem:v9+s3+$0x0], $0xffff;
	[tilespmem:s25+$0xFFFFFFD0] =	vst v11  }
.LBB2_5:
0x66: {  	v6 =	vld [tilespmem:s28+$0x30];
	s26 =	sadd.s32 $0x8, s26;
	[tilespmem:s25+$0xFFFFFFE0] =	vst v5  }
0x67: {  	v5 =	vld [tilespmem:s28+$0xFFFFFFD0];
	p1 =	slt.u32 s26, $0xF8;
	[tilespmem:s25+$0xFFFFFFF0] =	vst v4  }
0x68: {  	v4 =	vld [tilespmem:s28+$0xFFFFFFE0];
	[tilespmem:s25+$0x0] =	vst v3  }
0x69: {  	v3 =	vld [tilespmem:s28+$0xFFFFFFF0];
	[tilespmem:s25+$0x10] =	vst v1  }
0x6a: {  	v1 =	vld [tilespmem:s28+$0x0];
	[tilespmem:s25+$0x20] =	vst v0  }
0x6b: {  	v0 =	vld [tilespmem:s28+$0x10];
	[tilespmem:s25+$0xFFFFFFC0] =	vst v2  }
0x6c: {  	v2 =	vld [tilespmem:s28+$0x20]  }
0x6d: {  	v7 =	vld [tilespmem:s28+$0xFFFFFFC0]  }
0x6e: {  	v6 =	vld.idx.msk [tilespmem:v6+s3+$0x0], $0xffff  }
0x6f: {  	v8 =	vld.idx.msk [tilespmem:v5+s3+$0x0], $0xffff  }
0x70: {  	v5 =	vld.idx.msk [tilespmem:v4+s3+$0x0], $0xffff  }
.Ltmp1:
0x71: {  	v4 =	vld.idx.msk [tilespmem:v3+s3+$0x0], $0xffff;
	(pc) =	sbr.rel @p1 .LBB2_5-.Ltmp1, $4  }
0x72: {  	v3 =	vld.idx.msk [tilespmem:v1+s3+$0x0], $0xffff  }
0x73: {  	s25 =	sadd.s32 $0x80, s25;
	v1 =	vld.idx.msk [tilespmem:v0+s3+$0x0], $0xffff  }
0x74: {  	v0 =	vld.idx.msk [tilespmem:v2+s3+$0x0], $0xffff;
	[tilespmem:s25+$0x30] =	vst v6  }
0x75: {  	s28 =	sadd.s32 $0x80, s28;
	v2 =	vld.idx.msk [tilespmem:v7+s3+$0x0], $0xffff;
	[tilespmem:s25+$0xFFFFFFD0] =	vst v8  }
0x76: {  	[tilespmem:s25+$0xFFFFFFE0] =	vst v5;
	s23 =	sadd.s32 $0x1, s23  }
0x77: {  	[tilespmem:s25+$0xFFFFFFF0] =	vst v4;
	p1 =	sne.s32 s23, $0x19  }
.Ltmp2:
0x78: {  	s24 =	sshll.u32 s24, $0x12;
	[tilespmem:s25+$0x0] =	vst v3;
	(pc) =	sbr.rel @p1 .LBB2_2-.Ltmp2, $4  }
0x79: {  	s24 =	sor.u32 s8, s24;
	[tilespmem:s25+$0x10] =	vst v1  }
0x7a: {  	s24 =	sshrl.u32 s24, $0x3;
	[tilespmem:s25+$0x20] =	vst v0  }
0x7b: {  	s24 =	sadd.s32 s1, s24;
	[tilespmem:s25+$0xFFFFFFC0] =	vst v2  }
0x7c: {  	[hbm4b:s24+s15] =	stream.strided.scatter [tilespmem:s19], [sflag:$0x4], $0x1000, s16, s15, $0x38;
	[tilespmem:$0x1F8A0] =	vst v63  }
0x7d: {  	_ =	swait.ge [sflag:s20], $0x1000  }
0x7e: {  	[sflag:s20] =	ssyncset.done $0x0  }
0x7f: {  	[sflag:s20] =	ssyncadd.s32 $0xFFFFF000  }
0x80: {  	_ =	swait.ge [sflag:s21], $0x1000  }
0x81: {  	[sflag:s21] =	ssyncset.done $0x0  }
0x82: {  	s23 =	simm.s32 $0x0;
	[sflag:s21] =	ssyncadd.s32 $0xFFFFF000  }
0x83: {  	[tilespmem:s23], [sflag:$0x5] =	stream.linear.gather [hbm4b:s6+s23], $0x186A0, $0x38;
	[tilespmem:$0x1F8A0] =	vst v63  }
0x84: {  	_ =	swait.ge [sflag:s11], $0x186A0  }
0x85: {  	[sflag:s11] =	ssyncset.done $0x0  }
0x86: {  	[sflag:s11] =	ssyncadd.s32 $0xFFFE7960  }
0x87: {  	[tilespmem:s12], [sflag:$0x1] =	stream.linear.gather [spmem:s2], $0x1000, $0x38;
	[tilespmem:$0x1F8A0] =	vst v63  }
.LBB2_8:
0x88: {  	s24 =	sshllo.u32 s23, $0x1  }
0x89: {  	_ =	swait.ge [sflag:s13], $0x1000;
	s25 =	sshll.u32 s24, $0xC  }
0x8a: {  	[sflag:s13] =	ssyncset.done $0x0;
	s25 =	sand.u32 $0x3FFFF000, s25  }
0x8b: {  	p1 =	seq.s32 s23, $0x0;
	[sflag:s13] =	ssyncadd.s32 $0xFFFFF000;
	s25 =	sadd.s32 s25, s2  }
0x8c: {  	[tilespmem:s14], [sflag:$0x2] =	stream.linear.gather [spmem:s25], $0x1000, $0x38;
	[tilespmem:$0x1F8A0] =	vst v63  }
0x8d: {  	s25 =	simm.s32 @!p1 $0x3  }
0x8e: {  	_ =	swait.ge @!p1 [sflag:s25], $0x1000  }
0x8f: {  	[sflag:s25] =	ssyncset.done @!p1 $0x0  }
0x90: {  	s31 =	simm.s32 $0x186E0;
	[sflag:s25] =	ssyncadd.s32 @!p1 $0xFFFFF000  }
0x91: {  	v0 =	vld [tilespmem:s31+$0x30]  }
0x92: {  	v1 =	vld [tilespmem:s31+$0xFFFFFFD0]  }
0x93: {  	v2 =	vld [tilespmem:s31+$0xFFFFFFE0]  }
0x94: {  	v3 =	vld [tilespmem:s31+$0xFFFFFFF0]  }
0x95: {  	v6 =	vld [tilespmem:s31+$0x0]  }
0x96: {  	v7 =	vld [tilespmem:s31+$0x10]  }
0x97: {  	v8 =	vld [tilespmem:s31+$0x20]  }
0x98: {  	v9 =	vld [tilespmem:s31+$0xFFFFFFC0]  }
0x99: {  	v10 =	vld.idx.msk [tilespmem:v0+s3+$0x0], $0xffff  }
0x9a: {  	v11 =	vld.idx.msk [tilespmem:v1+s3+$0x0], $0xffff  }
0x9b: {  	v5 =	vld.idx.msk [tilespmem:v2+s3+$0x0], $0xffff  }
0x9c: {  	v4 =	vld.idx.msk [tilespmem:v3+s3+$0x0], $0xffff  }
0x9d: {  	v3 =	vld.idx.msk [tilespmem:v6+s3+$0x0], $0xffff  }
0x9e: {  	s25 =	simm.s32 $0x1A6E0;
	v1 =	vld.idx.msk [tilespmem:v7+s3+$0x0], $0xffff  }
0x9f: {  	v0 =	vld.idx.msk [tilespmem:v8+s3+$0x0], $0xffff;
	[tilespmem:s25+$0x30] =	vst v10  }
0xa0: {  	s26 =	simm.s32 $0x0;
	s28 =	simm.s32 $0x18760;
	v2 =	vld.idx.msk [tilespmem:v9+s3+$0x0], $0xffff;
	[tilespmem:s25+$0xFFFFFFD0] =	vst v11  }
.LBB2_9:
0xa1: {  	v6 =	vld [tilespmem:s28+$0x30];
	s26 =	sadd.s32 $0x8, s26;
	[tilespmem:s25+$0xFFFFFFE0] =	vst v5  }
0xa2: {  	v5 =	vld [tilespmem:s28+$0xFFFFFFD0];
	p1 =	slt.u32 s26, $0xF8;
	[tilespmem:s25+$0xFFFFFFF0] =	vst v4  }
0xa3: {  	v4 =	vld [tilespmem:s28+$0xFFFFFFE0];
	[tilespmem:s25+$0x0] =	vst v3  }
0xa4: {  	v3 =	vld [tilespmem:s28+$0xFFFFFFF0];
	[tilespmem:s25+$0x10] =	vst v1  }
0xa5: {  	v1 =	vld [tilespmem:s28+$0x0];
	[tilespmem:s25+$0x20] =	vst v0  }
0xa6: {  	v0 =	vld [tilespmem:s28+$0x10];
	[tilespmem:s25+$0xFFFFFFC0] =	vst v2  }
0xa7: {  	v2 =	vld [tilespmem:s28+$0x20]  }
0xa8: {  	v7 =	vld [tilespmem:s28+$0xFFFFFFC0]  }
0xa9: {  	v6 =	vld.idx.msk [tilespmem:v6+s3+$0x0], $0xffff  }
0xaa: {  	v8 =	vld.idx.msk [tilespmem:v5+s3+$0x0], $0xffff  }
0xab: {  	v5 =	vld.idx.msk [tilespmem:v4+s3+$0x0], $0xffff  }
.Ltmp3:
0xac: {  	v4 =	vld.idx.msk [tilespmem:v3+s3+$0x0], $0xffff;
	(pc) =	sbr.rel @p1 .LBB2_9-.Ltmp3, $4  }
0xad: {  	v3 =	vld.idx.msk [tilespmem:v1+s3+$0x0], $0xffff  }
0xae: {  	s25 =	sadd.s32 $0x80, s25;
	v1 =	vld.idx.msk [tilespmem:v0+s3+$0x0], $0xffff  }
0xaf: {  	v0 =	vld.idx.msk [tilespmem:v2+s3+$0x0], $0xffff;
	[tilespmem:s25+$0x30] =	vst v6  }
0xb0: {  	s28 =	sadd.s32 $0x80, s28;
	v2 =	vld.idx.msk [tilespmem:v7+s3+$0x0], $0xffff;
	[tilespmem:s25+$0xFFFFFFD0] =	vst v8  }
0xb1: {  	[tilespmem:s25+$0xFFFFFFE0] =	vst v5  }
0xb2: {  	[tilespmem:s25+$0xFFFFFFF0] =	vst v4  }
0xb3: {  	s26 =	sshll.u32 s23, $0x13;
	[tilespmem:s25+$0x0] =	vst v3  }
0xb4: {  	s26 =	sor.u32 s9, s26;
	[tilespmem:s25+$0x10] =	vst v1  }
0xb5: {  	p1 =	seq.s32 s23, $0x18;
	s26 =	sshrl.u32 s26, $0x3;
	[tilespmem:s25+$0x20] =	vst v0  }
0xb6: {  	s30 =	sadd.s32 s1, s26;
	[tilespmem:s25+$0xFFFFFFC0] =	vst v2;
	s25 =	sshll.u32 @!p1 s23, $0xD  }
0xb7: {  	[hbm4b:s30+s15] =	stream.strided.scatter [tilespmem:s17], [sflag:$0x3], $0x1000, s16, s15, $0x38;
	[tilespmem:$0x1F8A0] =	vst v63  }
0xb8: {  	s25 =	sand.u32 @!p1 $0x3FFFE000, s25;
	_ =	swait.ge [sflag:s18], $0x1000  }
0xb9: {  	p2 =	seq.s32 @!p1 s23, $0x0;
	s25 =	sadd.s32 @!p1 s25, s2;
	[sflag:s18] =	ssyncset.done $0x0  }
0xba: {  	s26 =	simm.s32 @!p1 $0x186A0;
	s25 =	sadd.s32 @!p1 $0x2000, s25;
	[sflag:s18] =	ssyncadd.s32 $0xFFFFF000  }
0xbb: {  	[tilespmem:s26], [sflag:$0x1] =	stream.linear.gather @!p1 [spmem:s25], $0x1000, $0x38;
	[tilespmem:$0x1F8A0] =	vst v63  }
0xbc: {  	p1 =	por p1, !p2  }
0xbd: {  	_ =	swait.ge @p1 [sflag:s21], $0x1000  }
0xbe: {  	[sflag:s21] =	ssyncset.done @p1 $0x0  }
0xbf: {  	s31 =	simm.s32 $0x196E0;
	[sflag:s21] =	ssyncadd.s32 @p1 $0xFFFFF000  }
0xc0: {  	v0 =	vld [tilespmem:s31+$0x30]  }
0xc1: {  	v1 =	vld [tilespmem:s31+$0xFFFFFFD0]  }
0xc2: {  	v2 =	vld [tilespmem:s31+$0xFFFFFFE0]  }
0xc3: {  	v3 =	vld [tilespmem:s31+$0xFFFFFFF0]  }
0xc4: {  	v6 =	vld [tilespmem:s31+$0x0]  }
0xc5: {  	v7 =	vld [tilespmem:s31+$0x10]  }
0xc6: {  	v8 =	vld [tilespmem:s31+$0x20]  }
0xc7: {  	v9 =	vld [tilespmem:s31+$0xFFFFFFC0]  }
0xc8: {  	v10 =	vld.idx.msk [tilespmem:v0+s3+$0x0], $0xffff  }
0xc9: {  	v11 =	vld.idx.msk [tilespmem:v1+s3+$0x0], $0xffff  }
0xca: {  	v5 =	vld.idx.msk [tilespmem:v2+s3+$0x0], $0xffff  }
0xcb: {  	v4 =	vld.idx.msk [tilespmem:v3+s3+$0x0], $0xffff  }
0xcc: {  	v3 =	vld.idx.msk [tilespmem:v6+s3+$0x0], $0xffff  }
0xcd: {  	s25 =	simm.s32 $0x1B6E0;
	v1 =	vld.idx.msk [tilespmem:v7+s3+$0x0], $0xffff  }
0xce: {  	v0 =	vld.idx.msk [tilespmem:v8+s3+$0x0], $0xffff;
	[tilespmem:s25+$0x30] =	vst v10  }
0xcf: {  	s28 =	simm.s32 $0x19760;
	s26 =	simm.s32 $0x0;
	v2 =	vld.idx.msk [tilespmem:v9+s3+$0x0], $0xffff;
	[tilespmem:s25+$0xFFFFFFD0] =	vst v11  }
.LBB2_11:
0xd0: {  	v6 =	vld [tilespmem:s28+$0x30];
	s26 =	sadd.s32 $0x8, s26;
	[tilespmem:s25+$0xFFFFFFE0] =	vst v5  }
0xd1: {  	v5 =	vld [tilespmem:s28+$0xFFFFFFD0];
	p1 =	slt.u32 s26, $0xF8;
	[tilespmem:s25+$0xFFFFFFF0] =	vst v4  }
0xd2: {  	v4 =	vld [tilespmem:s28+$0xFFFFFFE0];
	[tilespmem:s25+$0x0] =	vst v3  }
0xd3: {  	v3 =	vld [tilespmem:s28+$0xFFFFFFF0];
	[tilespmem:s25+$0x10] =	vst v1  }
0xd4: {  	v1 =	vld [tilespmem:s28+$0x0];
	[tilespmem:s25+$0x20] =	vst v0  }
0xd5: {  	v0 =	vld [tilespmem:s28+$0x10];
	[tilespmem:s25+$0xFFFFFFC0] =	vst v2  }
0xd6: {  	v2 =	vld [tilespmem:s28+$0x20]  }
0xd7: {  	v7 =	vld [tilespmem:s28+$0xFFFFFFC0]  }
0xd8: {  	v6 =	vld.idx.msk [tilespmem:v6+s3+$0x0], $0xffff  }
0xd9: {  	v8 =	vld.idx.msk [tilespmem:v5+s3+$0x0], $0xffff  }
0xda: {  	v5 =	vld.idx.msk [tilespmem:v4+s3+$0x0], $0xffff  }
.Ltmp4:
0xdb: {  	v4 =	vld.idx.msk [tilespmem:v3+s3+$0x0], $0xffff;
	(pc) =	sbr.rel @p1 .LBB2_11-.Ltmp4, $4  }
0xdc: {  	v3 =	vld.idx.msk [tilespmem:v1+s3+$0x0], $0xffff  }
0xdd: {  	s25 =	sadd.s32 $0x80, s25;
	v1 =	vld.idx.msk [tilespmem:v0+s3+$0x0], $0xffff  }
0xde: {  	v0 =	vld.idx.msk [tilespmem:v2+s3+$0x0], $0xffff;
	[tilespmem:s25+$0x30] =	vst v6  }
0xdf: {  	s28 =	sadd.s32 $0x80, s28;
	v2 =	vld.idx.msk [tilespmem:v7+s3+$0x0], $0xffff;
	[tilespmem:s25+$0xFFFFFFD0] =	vst v8  }
0xe0: {  	[tilespmem:s25+$0xFFFFFFE0] =	vst v5;
	s23 =	sadd.s32 $0x1, s23  }
0xe1: {  	[tilespmem:s25+$0xFFFFFFF0] =	vst v4;
	p1 =	sne.s32 s23, $0x19  }
.Ltmp5:
0xe2: {  	s24 =	sshll.u32 s24, $0x12;
	[tilespmem:s25+$0x0] =	vst v3;
	(pc) =	sbr.rel @p1 .LBB2_8-.Ltmp5, $4  }
0xe3: {  	s24 =	sor.u32 s9, s24;
	[tilespmem:s25+$0x10] =	vst v1  }
0xe4: {  	s24 =	sshrl.u32 s24, $0x3;
	[tilespmem:s25+$0x20] =	vst v0  }
0xe5: {  	s24 =	sadd.s32 s1, s24;
	[tilespmem:s25+$0xFFFFFFC0] =	vst v2  }
0xe6: {  	[hbm4b:s24+s15] =	stream.strided.scatter [tilespmem:s19], [sflag:$0x4], $0x1000, s16, s15, $0x38;
	[tilespmem:$0x1F8A0] =	vst v63  }
0xe7: {  	s22 =	sadd.s32 $0x1, s22  }
0xe8: {  	_ =	swait.ge [sflag:s20], $0x1000;
	p1 =	sne.s32 s22, s7  }
.Ltmp6:
0xe9: {  	[sflag:s20] =	ssyncset.done $0x0;
	(pc) =	sbr.rel @p1 .LBB2_1-.Ltmp6, $4  }
0xea: {  	[sflag:s20] =	ssyncadd.s32 $0xFFFFF000  }
0xeb: {  	_ =	swait.ge [sflag:s21], $0x1000  }
0xec: {  	[sflag:s21] =	ssyncset.done $0x0  }
0xed: {  	[sflag:s21] =	ssyncadd.s32 $0xFFFFF000  }
0xee: {  	_ =	sfence.sel $0x180000  }
0xef: {  	[bflag:$0x0] =	sbarrier.arrive $0xFFFF  }
0xf0: {  	_ =	strace $0x90000047  }
0xf1: {  	s0 =	sadd.s32 @!p0 $0x100000, s0;
	[bflag:$0x2] =	sbarrier.arrive $0xFFFF  }
0xf2: {  	[sflag:s0] =	ssyncadd.tile.s32 @!p0 $0x1;
	_ =	shalt  }
.Lfunc_end2:
_tile_overlayer_lowered:
.L_overlay_start_2:
0xf3: {  	(tag) =	ssettag $0x2  }
0xf4: {  	s0 =	rddreg [dreg:$0x0];
	s2 =	stileid.u32  }
0xf5: {  	s1 =	rddreg [dreg:$0x1];
	p0 =	sne.s32 s2, $0x0  }
0xf6: {  	s3 =	rddreg [dreg:$0x2];
	[bflag:$0x3] =	sbarrier.arrive $0xFFFF;
	s2 =	simm.s32 @!p0 $0x1C05  }
0xf7: {  	[timem:s3], [sflag:s2] =	dma.local @!p0 [hbm:s0], s1  }
0xf8: {  	s0 =	simm.s32 @!p0 $0x5  }
0xf9: {  	_ =	swait.ge @!p0 [sflag:s0], s1  }
0xfa: {  	s1 =	ssub.s32 @!p0 $0x0, s1;
	[sflag:s0] =	ssyncset.done @!p0 $0x0  }
0xfb: {  	[sflag:s0] =	ssyncadd.s32 @!p0 s1  }
0xfc: {  	[bflag:$0x3] =	sbarrier.arrive $0xFFFF  }
0xfd: {  	_ =	shalt  }

</sc_bundles>
